<compile_context>
chip_gen: v7x
topology: tpu7x:2x2x1
jax: 0.10.2.dev20260603
libtpu: 0.0.44.dev20260713+nightly
codegen_flags: <defaults>
</compile_context>

<pallas_src>
import functools

import jax
import jax.numpy as jnp
from jax import lax
from jax.experimental import pallas as pl
from jax.experimental.pallas import tpu as pltpu
from jax.experimental.pallas import tpu_sc as plsc

N = 10000
E = 320000
D = 128
BN_EPS = 1e-5

NP = 10240
NSC = 2
NSUB = 16
NW = NSC * NSUB
CHUNK = 128
NCH = 80
STRIDE_CH = 81
EPW = NCH * CHUNK
EP = EPW * NW
BASE_W = STRIDE_CH * CHUNK
RPS = NP // NSUB

BLK = 1024

_mesh = plsc.VectorSubcoreMesh(core_axis_name="c", subcore_axis_name="s")



@functools.partial(
    pl.kernel, mesh=_mesh,
    out_type=jax.ShapeDtypeStruct((NSC, NP, D), jnp.float32),
    scratch_types=[
        pltpu.VMEM((CHUNK,), jnp.int32),
        pltpu.VMEM((CHUNK,), jnp.int32),
        pltpu.VMEM((CHUNK, D), jnp.float32),
        pltpu.VMEM_SHARED((NP, D), jnp.float32),
        pltpu.SemaphoreType.DMA,
    ],
)
def _sc_segsum(y, srcp, dstp, z128, agg_out,
               src_v, dst_v, rows_v, agg_s, sem):
    cid = lax.axis_index("c")
    sid = lax.axis_index("s")
    sl = pl.ds(sid * RPS, RPS)
    pltpu.sync_copy(z128.at[sl], agg_s.at[sl])
    plsc.subcore_barrier()
    base = (cid * NSUB + sid) * BASE_W

    def loop(i, carry):
        off = pl.multiple_of(base + i * CHUNK, 8)
        pltpu.sync_copy(srcp.at[pl.ds(off, CHUNK)], src_v)
        pltpu.sync_copy(dstp.at[pl.ds(off, CHUNK)], dst_v)
        pltpu.async_copy(y.at[src_v], rows_v, sem).wait()
        pltpu.sync_copy(rows_v, agg_s.at[dst_v], add=True)
        return carry

    lax.fori_loop(0, NCH, loop, 0)
    plsc.subcore_barrier()
    pltpu.sync_copy(agg_s.at[sl], agg_out.at[cid, sl])



@functools.partial(
    pl.kernel, mesh=_mesh,
    compiler_params=pltpu.CompilerParams(needs_layout_passes=False),
    out_type=jax.ShapeDtypeStruct((NW, NP), jnp.float32),
    scratch_types=[
        pltpu.VMEM((CHUNK,), jnp.int32),
        pltpu.VMEM((NP,), jnp.float32),
    ],
)
def _sc_count(dstp, zrow, cnt_out, dst_v, cnt_loc):
    cid = lax.axis_index("c")
    sid = lax.axis_index("s")
    wid = cid * NSUB + sid
    pltpu.sync_copy(zrow, cnt_loc)
    base = wid * BASE_W
    ones = jnp.ones((16,), jnp.float32)

    def loop(i, carry):
        off = pl.multiple_of(base + i * CHUNK, 8)
        pltpu.sync_copy(dstp.at[pl.ds(off, CHUNK)], dst_v)
        for j in range(CHUNK // 16):
            idx = dst_v[pl.ds(j * 16, 16)]
            plsc.addupdate_scatter(cnt_loc, [idx], ones)
        return carry

    lax.fori_loop(0, NCH, loop, 0)
    pltpu.sync_copy(cnt_loc, cnt_out.at[wid])



def _dotT(a, w):
    return lax.dot_general(a, w, (((1,), (1,)), ((), ())),
                           preferred_element_type=jnp.float32)


def _tc_pre_body(x_ref, wl_ref, wr_ref, b_ref, y_ref, r_ref):
    xb = x_ref[...]
    y_ref[...] = _dotT(xb, wl_ref[...])
    r_ref[...] = _dotT(xb, wr_ref[...]) + b_ref[...]


def _tc_mid_body(a0_ref, a1_ref, cnt_ref, r1_ref, g_ref, be_ref,
                 wl_ref, wr_ref, b_ref, y_ref, r_ref):
    cnt = jnp.sum(cnt_ref[...], axis=0)[:, None]
    inv = 1.0 / jnp.maximum(cnt, 1.0)
    h = (a0_ref[...] + a1_ref[...]) * inv + r1_ref[...]
    h = h * g_ref[...] + be_ref[...]
    h = jnp.maximum(h, 0.0)
    y_ref[...] = _dotT(h, wl_ref[...])
    r_ref[...] = _dotT(h, wr_ref[...]) + b_ref[...]


def _tc_post_body(a0_ref, a1_ref, cnt_ref, r2_ref, o_ref):
    cnt = jnp.sum(cnt_ref[...], axis=0)[:, None]
    inv = 1.0 / jnp.maximum(cnt, 1.0)
    o_ref[...] = (a0_ref[...] + a1_ref[...]) * inv + r2_ref[...]


_row_spec = pl.BlockSpec((BLK, D), lambda i: (i, 0))
_cnt_spec = pl.BlockSpec((NW, BLK), lambda i: (0, i))
_full_spec = pl.BlockSpec((D, D), lambda i: (0, 0))
_vec_spec = pl.BlockSpec((1, D), lambda i: (0, 0))

_tc_pre = pl.pallas_call(
    _tc_pre_body,
    grid=(NP // BLK,),
    in_specs=[_row_spec, _full_spec, _full_spec, _vec_spec],
    out_specs=[_row_spec, _row_spec],
    out_shape=[jax.ShapeDtypeStruct((NP, D), jnp.float32)] * 2,
)

_tc_mid = pl.pallas_call(
    _tc_mid_body,
    grid=(NP // BLK,),
    in_specs=[_row_spec, _row_spec, _cnt_spec, _row_spec,
              _vec_spec, _vec_spec, _full_spec, _full_spec, _vec_spec],
    out_specs=[_row_spec, _row_spec],
    out_shape=[jax.ShapeDtypeStruct((NP, D), jnp.float32)] * 2,
)

_tc_post = pl.pallas_call(
    _tc_post_body,
    grid=(NP // BLK,),
    in_specs=[_row_spec, _row_spec, _cnt_spec, _row_spec],
    out_specs=_row_spec,
    out_shape=jax.ShapeDtypeStruct((NP, D), jnp.float32),
)


def kernel(x, edge_index, W1l, b1, W1r, gamma, beta, W2l, b2, W2r):
    src = edge_index[0]
    dst = edge_index[1]
    pad = EP - E
    srcp = jnp.concatenate([src, jnp.zeros((pad,), jnp.int32)])
    dump_rows = N + (jnp.arange(pad, dtype=jnp.int32) % (NP - N))
    dstp = jnp.concatenate([dst, dump_rows])
    srcp = jnp.pad(srcp.reshape(NW, NCH, CHUNK), ((0, 0), (0, 1), (0, 0))
                   ).reshape(-1)
    dstp = jnp.pad(dstp.reshape(NW, NCH, CHUNK), ((0, 0), (0, 1), (0, 0)),
                   constant_values=N).reshape(-1)
    xp = jnp.pad(x, ((0, NP - N), (0, 0)))

    z128 = jnp.zeros((NP, D), jnp.float32)
    zrow = jnp.zeros((NP,), jnp.float32)

    g2 = gamma.reshape(1, D) / jnp.sqrt(1.0 + BN_EPS)
    be2 = beta.reshape(1, D)
    b1_2 = b1.reshape(1, D)
    b2_2 = b2.reshape(1, D)

    cnt32 = _sc_count(dstp, zrow)
    y1, r1 = _tc_pre(xp, W1l, W1r, b1_2)
    agg1 = _sc_segsum(y1, srcp, dstp, z128)
    y2, r2 = _tc_mid(agg1[0], agg1[1], cnt32, r1, g2, be2, W2l, W2r, b2_2)
    agg2 = _sc_segsum(y2, srcp, dstp, z128)
    out = _tc_post(agg2[0], agg2[1], cnt32, r2)
    return out[:N]

# --- scband reference (transcript-rebuilt; emitter-appended) ---
"""Pipeline reference for scband-sage-69002944578218 (READ-ONLY COPY).

The authoritative reference and input builder live on the scoring server;
editing this copy changes nothing except your own understanding.
"""

import jax, jax.numpy as jnp
import numpy as np

N = 10000
E = 320000
D_IN = 128
D_HID = 128
D_OUT = 128
BN_EPS = 1e-5


def setup_inputs(seed: int = 0) -> dict:
    key = jax.random.key(seed)
    ks = jax.random.split(key, 12)
    x = jax.random.normal(ks[0], (N, D_IN), dtype=jnp.float32)
    edge_index = jax.random.randint(ks[1], (2, E), 0, N, dtype=jnp.int32)
    s1 = 1.0 / np.sqrt(D_IN)
    s2 = 1.0 / np.sqrt(D_HID)
    # Layer 1 SAGEConv: lin_l (neighbor aggr, with bias) + lin_r (root, no bias)
    W1l = jax.random.uniform(ks[2], (D_HID, D_IN), jnp.float32, -s1, s1)
    b1 = jax.random.uniform(ks[3], (D_HID,), jnp.float32, -s1, s1)
    W1r = jax.random.uniform(ks[4], (D_HID, D_IN), jnp.float32, -s1, s1)
    # BatchNorm1d params (eval mode: running_mean=0, running_var=1)
    gamma = jnp.ones((D_HID,), jnp.float32)
    beta = jnp.zeros((D_HID,), jnp.float32)
    # Layer 2 SAGEConv
    W2l = jax.random.uniform(ks[5], (D_OUT, D_HID), jnp.float32, -s2, s2)
    b2 = jax.random.uniform(ks[6], (D_OUT,), jnp.float32, -s2, s2)
    W2r = jax.random.uniform(ks[7], (D_OUT, D_HID), jnp.float32, -s2, s2)
    return {"x": x, "edge_index": edge_index, "W1l": W1l, "b1": b1, "W1r": W1r,
            "gamma": gamma, "beta": beta, "W2l": W2l, "b2": b2, "W2r": W2r}


def _sage_conv(x, src, dst, Wl, bl, Wr):
    # mean aggregation of neighbor messages (PyG SAGEConv, aggr='mean')
    msg = jnp.take(x, src, axis=0)
    summed = jax.ops.segment_sum(msg, dst, num_segments=N)
    cnt = jax.ops.segment_sum(jnp.ones((src.shape[0],), x.dtype), dst, num_segments=N)
    mean = summed / jnp.clip(cnt, 1.0, None)[:, None]
    return mean @ Wl.T + bl + x @ Wr.T


def _batch_norm_eval(h, gamma, beta):
    # eval-mode BN with running_mean=0, running_var=1
    return h * (gamma / jnp.sqrt(1.0 + BN_EPS)) + beta


def reference(x, edge_index, W1l, b1, W1r, gamma, beta, W2l, b2, W2r):
    src = edge_index[0]
    dst = edge_index[1]
    h = _sage_conv(x, src, dst, W1l, b1, W1r)
    h = _batch_norm_eval(h, gamma, beta)
    h = jax.nn.relu(h)
    # dropout is identity in eval mode
    out = _sage_conv(h, src, dst, W2l, b2, W2r)
    return out

if __name__ == "__main__":
    import jax
    _d = setup_inputs()
    print(jax.jit(kernel)(*tuple(_d.values())))

</pallas_src>

<mosaic_0001>
#map = affine_map<(d0, d1) -> (0)>
#map1 = affine_map<(d0, d1) -> (0, 0)>
module attributes {stable_mosaic.version = 14 : i64} {
  func.func @_sc_count(%arg0: i32, %arg1: i32, %arg2: memref<331776xi32, #tpu.memory_space<hbm>>, %arg3: memref<10240xf32, #tpu.memory_space<hbm>>, %arg4: memref<32x10240xf32, #tpu.memory_space<hbm>>, %arg5: memref<128xi32, #tpu.memory_space<vmem>>, %arg6: memref<10240xf32, #tpu.memory_space<vmem>>) attributes {dimension_semantics = [#tpu.dimension_semantics<core_parallel>, #tpu.dimension_semantics<subcore_parallel>], iteration_bounds = array<i64: 2, 16>, scalar_prefetch = 0 : i64, scratch_operands = 2 : i64, tpu.core_type = #tpu.core_type<sc_vector_subcore>, window_params = [{transform_indices = #map}, {transform_indices = #map}, {transform_indices = #map1}]} {
    %mul3A = arith.constant 16 : i32
    %mul3A_0 = arith.muli %arg0, %mul3A : i32
    %add3A = arith.addi %mul3A_0, %arg1 : i32
    "tpu.region"() ({
      %run_scoped3A = tpu.sem_alloc : memref<!tpu.dma_semaphore, #tpu.memory_space<semaphore_mem>>
      tpu.enqueue_dma source(%arg3 : memref<10240xf32, #tpu.memory_space<hbm>>) target(%arg6 : memref<10240xf32, #tpu.memory_space<vmem>>) target_semaphore(%run_scoped3A : memref<!tpu.dma_semaphore, #tpu.memory_space<semaphore_mem>>)
      tpu.wait_dma2 semaphore(%run_scoped3A : memref<!tpu.dma_semaphore, #tpu.memory_space<semaphore_mem>>) src(%arg3 : memref<10240xf32, #tpu.memory_space<hbm>>) dst(%arg6 : memref<10240xf32, #tpu.memory_space<vmem>>)
      tpu.yield
    }) : () -> ()
    %mul3A_1 = arith.constant 10368 : i32
    %mul3A_2 = arith.muli %add3A, %mul3A_1 : i32
    %broadcast_in_dim3A = arith.constant 1.000000e+00 : f32
    %broadcast_in_dim3A_3 = vector.broadcast %broadcast_in_dim3A : f32 to vector<16xf32>
    %scan3A = arith.constant 0 : i32
    %scan3A_4 = arith.constant 0 : i32
    %scan3A_5 = arith.constant 80 : i32
    %scan3A_6 = arith.addi %scan3A_4, %scan3A_5 : i32
    %scan3A_7 = arith.constant 1 : i32
    scf.for %scan3A_9 = %scan3A_4 to %scan3A_6 step %scan3A_7  : i32 {
      %mul3A_10 = arith.constant 128 : i32
      %mul3A_11 = arith.muli %scan3A_9, %mul3A_10 : i32
      %add3A_12 = arith.addi %mul3A_2, %mul3A_11 : i32
      %multiple_of3A = tpu.assume_multiple %add3A_12, 8 : i32
      "tpu.region"() ({
        %run_scoped3A = tpu.sem_alloc : memref<!tpu.dma_semaphore, #tpu.memory_space<semaphore_mem>>
        %dma_start3A = tpu.memref_slice %arg2[%multiple_of3A] : memref<331776xi32, #tpu.memory_space<hbm>> -> memref<128xi32, #tpu.memory_space<hbm>>
        %dma_start3A_28 = tpu.memref_slice %arg2[%multiple_of3A] : memref<331776xi32, #tpu.memory_space<hbm>> -> memref<128xi32, #tpu.memory_space<hbm>>
        tpu.enqueue_dma source(%dma_start3A_28 : memref<128xi32, #tpu.memory_space<hbm>>) target(%arg5 : memref<128xi32, #tpu.memory_space<vmem>>) target_semaphore(%run_scoped3A : memref<!tpu.dma_semaphore, #tpu.memory_space<semaphore_mem>>)
        %dma_wait3A = tpu.memref_slice %arg2[%multiple_of3A] : memref<331776xi32, #tpu.memory_space<hbm>> -> memref<128xi32, #tpu.memory_space<hbm>>
        %dma_wait3A_29 = tpu.memref_slice %arg2[%multiple_of3A] : memref<331776xi32, #tpu.memory_space<hbm>> -> memref<128xi32, #tpu.memory_space<hbm>>
        tpu.wait_dma2 semaphore(%run_scoped3A : memref<!tpu.dma_semaphore, #tpu.memory_space<semaphore_mem>>) src(%dma_wait3A_29 : memref<128xi32, #tpu.memory_space<hbm>>) dst(%arg5 : memref<128xi32, #tpu.memory_space<vmem>>)
        tpu.yield
      }) : () -> ()
      %get3A = arith.constant 0 : index
      %get3A_13 = tpu.vector_load %arg5[%get3A] {strides = array<i32>} : memref<128xi32, #tpu.memory_space<vmem>>, vector<16xi32>,
      tpu.vector_store_idx %arg6[%get3A_13], %broadcast_in_dim3A_3 {add = true} : memref<10240xf32, #tpu.memory_space<vmem>>[vector<16xi32>], vector<16xf32>,
      %get3A_14 = arith.constant 16 : index
      %get3A_15 = tpu.vector_load %arg5[%get3A_14] {strides = array<i32>} : memref<128xi32, #tpu.memory_space<vmem>>, vector<16xi32>,
      tpu.vector_store_idx %arg6[%get3A_15], %broadcast_in_dim3A_3 {add = true} : memref<10240xf32, #tpu.memory_space<vmem>>[vector<16xi32>], vector<16xf32>,
      %get3A_16 = arith.constant 32 : index
      %get3A_17 = tpu.vector_load %arg5[%get3A_16] {strides = array<i32>} : memref<128xi32, #tpu.memory_space<vmem>>, vector<16xi32>,
      tpu.vector_store_idx %arg6[%get3A_17], %broadcast_in_dim3A_3 {add = true} : memref<10240xf32, #tpu.memory_space<vmem>>[vector<16xi32>], vector<16xf32>,
      %get3A_18 = arith.constant 48 : index
      %get3A_19 = tpu.vector_load %arg5[%get3A_18] {strides = array<i32>} : memref<128xi32, #tpu.memory_space<vmem>>, vector<16xi32>,
      tpu.vector_store_idx %arg6[%get3A_19], %broadcast_in_dim3A_3 {add = true} : memref<10240xf32, #tpu.memory_space<vmem>>[vector<16xi32>], vector<16xf32>,
      %get3A_20 = arith.constant 64 : index
      %get3A_21 = tpu.vector_load %arg5[%get3A_20] {strides = array<i32>} : memref<128xi32, #tpu.memory_space<vmem>>, vector<16xi32>,
      tpu.vector_store_idx %arg6[%get3A_21], %broadcast_in_dim3A_3 {add = true} : memref<10240xf32, #tpu.memory_space<vmem>>[vector<16xi32>], vector<16xf32>,
      %get3A_22 = arith.constant 80 : index
      %get3A_23 = tpu.vector_load %arg5[%get3A_22] {strides = array<i32>} : memref<128xi32, #tpu.memory_space<vmem>>, vector<16xi32>,
      tpu.vector_store_idx %arg6[%get3A_23], %broadcast_in_dim3A_3 {add = true} : memref<10240xf32, #tpu.memory_space<vmem>>[vector<16xi32>], vector<16xf32>,
      %get3A_24 = arith.constant 96 : index
      %get3A_25 = tpu.vector_load %arg5[%get3A_24] {strides = array<i32>} : memref<128xi32, #tpu.memory_space<vmem>>, vector<16xi32>,
      tpu.vector_store_idx %arg6[%get3A_25], %broadcast_in_dim3A_3 {add = true} : memref<10240xf32, #tpu.memory_space<vmem>>[vector<16xi32>], vector<16xf32>,
      %get3A_26 = arith.constant 112 : index
      %get3A_27 = tpu.vector_load %arg5[%get3A_26] {strides = array<i32>} : memref<128xi32, #tpu.memory_space<vmem>>, vector<16xi32>,
      tpu.vector_store_idx %arg6[%get3A_27], %broadcast_in_dim3A_3 {add = true} : memref<10240xf32, #tpu.memory_space<vmem>>[vector<16xi32>], vector<16xf32>,
    }
    %scan3A_8 = arith.constant 80 : i32
    "tpu.region"() ({
      %run_scoped3A = tpu.sem_alloc : memref<!tpu.dma_semaphore, #tpu.memory_space<semaphore_mem>>
      %dma_start3A = arith.constant 0 : i32
      %dma_start3A_9 = tpu.memref_slice %arg4[%add3A, %dma_start3A] : memref<32x10240xf32, #tpu.memory_space<hbm>> -> memref<1x10240xf32, #tpu.memory_space<hbm>>
      %dma_start3A_10 = tpu.memref_squeeze %dma_start3A_9 : memref<1x10240xf32, #tpu.memory_space<hbm>> -> memref<10240xf32, #tpu.memory_space<hbm>>
      %dma_start3A_11 = arith.constant 0 : i32
      %dma_start3A_12 = tpu.memref_slice %arg4[%add3A, %dma_start3A_11] : memref<32x10240xf32, #tpu.memory_space<hbm>> -> memref<1x10240xf32, #tpu.memory_space<hbm>>
      %dma_start3A_13 = tpu.memref_squeeze %dma_start3A_12 : memref<1x10240xf32, #tpu.memory_space<hbm>> -> memref<10240xf32, #tpu.memory_space<hbm>>
      tpu.enqueue_dma source(%arg6 : memref<10240xf32, #tpu.memory_space<vmem>>) target(%dma_start3A_13 : memref<10240xf32, #tpu.memory_space<hbm>>) target_semaphore(%run_scoped3A : memref<!tpu.dma_semaphore, #tpu.memory_space<semaphore_mem>>)
      %dma_wait3A = arith.constant 0 : i32
      %dma_wait3A_14 = tpu.memref_slice %arg4[%add3A, %dma_wait3A] : memref<32x10240xf32, #tpu.memory_space<hbm>> -> memref<1x10240xf32, #tpu.memory_space<hbm>>
      %dma_wait3A_15 = tpu.memref_squeeze %dma_wait3A_14 : memref<1x10240xf32, #tpu.memory_space<hbm>> -> memref<10240xf32, #tpu.memory_space<hbm>>
      %dma_wait3A_16 = arith.constant 0 : i32
      %dma_wait3A_17 = tpu.memref_slice %arg4[%add3A, %dma_wait3A_16] : memref<32x10240xf32, #tpu.memory_space<hbm>> -> memref<1x10240xf32, #tpu.memory_space<hbm>>
      %dma_wait3A_18 = tpu.memref_squeeze %dma_wait3A_17 : memref<1x10240xf32, #tpu.memory_space<hbm>> -> memref<10240xf32, #tpu.memory_space<hbm>>
      tpu.wait_dma2 semaphore(%run_scoped3A : memref<!tpu.dma_semaphore, #tpu.memory_space<semaphore_mem>>) src(%arg6 : memref<10240xf32, #tpu.memory_space<vmem>>) dst(%dma_wait3A_18 : memref<10240xf32, #tpu.memory_space<hbm>>)
      tpu.yield
    }) : () -> ()
    return
  }
}

#map = affine_map<(d0, d1) -> (0, 0)>
#map1 = affine_map<(d0, d1) -> (0)>
#map2 = affine_map<(d0, d1) -> (0, 0, 0)>
module attributes {stable_mosaic.version = 14 : i64} {
  func.func @_sc_segsum(%arg0: i32, %arg1: i32, %arg2: memref<10240x128xf32, #tpu.memory_space<hbm>>, %arg3: memref<331776xi32, #tpu.memory_space<hbm>>, %arg4: memref<331776xi32, #tpu.memory_space<hbm>>, %arg5: memref<10240x128xf32, #tpu.memory_space<hbm>>, %arg6: memref<2x10240x128xf32, #tpu.memory_space<hbm>>, %arg7: memref<128xi32, #tpu.memory_space<vmem>>, %arg8: memref<128xi32, #tpu.memory_space<vmem>>, %arg9: memref<128x128xf32, #tpu.memory_space<vmem>>, %arg10: memref<10240x128xf32, #tpu.memory_space<vmem_shared>>, %arg11: memref<!tpu.dma_semaphore, #tpu.memory_space<semaphore_mem>>) attributes {dimension_semantics = [#tpu.dimension_semantics<core_parallel>, #tpu.dimension_semantics<subcore_parallel>], iteration_bounds = array<i64: 2, 16>, scalar_prefetch = 0 : i64, scratch_operands = 5 : i64, tpu.core_type = #tpu.core_type<sc_vector_subcore>, window_params = [{transform_indices = #map}, {transform_indices = #map1}, {transform_indices = #map1}, {transform_indices = #map}, {transform_indices = #map2}]} {
    %mul3A = arith.constant 640 : i32
    %mul3A_0 = arith.muli %arg1, %mul3A : i32
    "tpu.region"() ({
      %run_scoped3A = tpu.sem_alloc : memref<!tpu.dma_semaphore, #tpu.memory_space<semaphore_mem>>
      %dma_start3A = arith.constant 0 : i32
      %dma_start3A_11 = tpu.memref_slice %arg10[%mul3A_0, %dma_start3A] : memref<10240x128xf32, #tpu.memory_space<vmem_shared>> -> memref<640x128xf32, #tpu.memory_space<vmem_shared>>
      %dma_start3A_12 = arith.constant 0 : i32
      %dma_start3A_13 = tpu.memref_slice %arg5[%mul3A_0, %dma_start3A_12] : memref<10240x128xf32, #tpu.memory_space<hbm>> -> memref<640x128xf32, #tpu.memory_space<hbm>>
      tpu.enqueue_dma source(%dma_start3A_13 : memref<640x128xf32, #tpu.memory_space<hbm>>) target(%dma_start3A_11 : memref<640x128xf32, #tpu.memory_space<vmem_shared>>) target_semaphore(%run_scoped3A : memref<!tpu.dma_semaphore, #tpu.memory_space<semaphore_mem>>)
      %dma_wait3A = arith.constant 0 : i32
      %dma_wait3A_14 = tpu.memref_slice %arg10[%mul3A_0, %dma_wait3A] : memref<10240x128xf32, #tpu.memory_space<vmem_shared>> -> memref<640x128xf32, #tpu.memory_space<vmem_shared>>
      %dma_wait3A_15 = arith.constant 0 : i32
      %dma_wait3A_16 = tpu.memref_slice %arg5[%mul3A_0, %dma_wait3A_15] : memref<10240x128xf32, #tpu.memory_space<hbm>> -> memref<640x128xf32, #tpu.memory_space<hbm>>
      tpu.wait_dma2 semaphore(%run_scoped3A : memref<!tpu.dma_semaphore, #tpu.memory_space<semaphore_mem>>) src(%dma_wait3A_16 : memref<640x128xf32, #tpu.memory_space<hbm>>) dst(%dma_wait3A_14 : memref<640x128xf32, #tpu.memory_space<vmem_shared>>)
      tpu.yield
    }) : () -> ()
    %barrier3A = arith.constant 0 : index
    tpu.barrier barrier_id(%barrier3A)
    %mul3A_1 = arith.constant 16 : i32
    %mul3A_2 = arith.muli %arg0, %mul3A_1 : i32
    %add3A = arith.addi %mul3A_2, %arg1 : i32
    %mul3A_3 = arith.constant 10368 : i32
    %mul3A_4 = arith.muli %add3A, %mul3A_3 : i32
    %scan3A = arith.constant 0 : i32
    %scan3A_5 = arith.constant 0 : i32
    %scan3A_6 = arith.constant 80 : i32
    %scan3A_7 = arith.addi %scan3A_5, %scan3A_6 : i32
    %scan3A_8 = arith.constant 1 : i32
    scf.for %scan3A_11 = %scan3A_5 to %scan3A_7 step %scan3A_8  : i32 {
      %mul3A_12 = arith.constant 128 : i32
      %mul3A_13 = arith.muli %scan3A_11, %mul3A_12 : i32
      %add3A_14 = arith.addi %mul3A_4, %mul3A_13 : i32
      %multiple_of3A = tpu.assume_multiple %add3A_14, 8 : i32
      "tpu.region"() ({
        %run_scoped3A = tpu.sem_alloc : memref<!tpu.dma_semaphore, #tpu.memory_space<semaphore_mem>>
        %dma_start3A_19 = tpu.memref_slice %arg3[%multiple_of3A] : memref<331776xi32, #tpu.memory_space<hbm>> -> memref<128xi32, #tpu.memory_space<hbm>>
        %dma_start3A_20 = tpu.memref_slice %arg3[%multiple_of3A] : memref<331776xi32, #tpu.memory_space<hbm>> -> memref<128xi32, #tpu.memory_space<hbm>>
        tpu.enqueue_dma source(%dma_start3A_20 : memref<128xi32, #tpu.memory_space<hbm>>) target(%arg7 : memref<128xi32, #tpu.memory_space<vmem>>) target_semaphore(%run_scoped3A : memref<!tpu.dma_semaphore, #tpu.memory_space<semaphore_mem>>)
        %dma_wait3A_21 = tpu.memref_slice %arg3[%multiple_of3A] : memref<331776xi32, #tpu.memory_space<hbm>> -> memref<128xi32, #tpu.memory_space<hbm>>
        %dma_wait3A_22 = tpu.memref_slice %arg3[%multiple_of3A] : memref<331776xi32, #tpu.memory_space<hbm>> -> memref<128xi32, #tpu.memory_space<hbm>>
        tpu.wait_dma2 semaphore(%run_scoped3A : memref<!tpu.dma_semaphore, #tpu.memory_space<semaphore_mem>>) src(%dma_wait3A_22 : memref<128xi32, #tpu.memory_space<hbm>>) dst(%arg7 : memref<128xi32, #tpu.memory_space<vmem>>)
        tpu.yield
      }) : () -> ()
      "tpu.region"() ({
        %run_scoped3A = tpu.sem_alloc : memref<!tpu.dma_semaphore, #tpu.memory_space<semaphore_mem>>
        %dma_start3A_19 = tpu.memref_slice %arg4[%multiple_of3A] : memref<331776xi32, #tpu.memory_space<hbm>> -> memref<128xi32, #tpu.memory_space<hbm>>
        %dma_start3A_20 = tpu.memref_slice %arg4[%multiple_of3A] : memref<331776xi32, #tpu.memory_space<hbm>> -> memref<128xi32, #tpu.memory_space<hbm>>
        tpu.enqueue_dma source(%dma_start3A_20 : memref<128xi32, #tpu.memory_space<hbm>>) target(%arg8 : memref<128xi32, #tpu.memory_space<vmem>>) target_semaphore(%run_scoped3A : memref<!tpu.dma_semaphore, #tpu.memory_space<semaphore_mem>>)
        %dma_wait3A_21 = tpu.memref_slice %arg4[%multiple_of3A] : memref<331776xi32, #tpu.memory_space<hbm>> -> memref<128xi32, #tpu.memory_space<hbm>>
        %dma_wait3A_22 = tpu.memref_slice %arg4[%multiple_of3A] : memref<331776xi32, #tpu.memory_space<hbm>> -> memref<128xi32, #tpu.memory_space<hbm>>
        tpu.wait_dma2 semaphore(%run_scoped3A : memref<!tpu.dma_semaphore, #tpu.memory_space<semaphore_mem>>) src(%dma_wait3A_22 : memref<128xi32, #tpu.memory_space<hbm>>) dst(%arg8 : memref<128xi32, #tpu.memory_space<vmem>>)
        tpu.yield
      }) : () -> ()
      %dma_start3A = arith.constant 0 : i32
      %dma_start3A_15 = arith.constant 0 : i32
      %dma_start3A_16 = tpu.memref_slice %arg2[%dma_start3A, %dma_start3A_15] : memref<10240x128xf32, #tpu.memory_space<hbm>> -> memref<10240x128xf32, #tpu.memory_space<hbm>>
      tpu.enqueue_indirect_dma source(%dma_start3A_16 : memref<10240x128xf32, #tpu.memory_space<hbm>>) target(%arg9 : memref<128x128xf32, #tpu.memory_space<vmem>>) offsets(%arg7 : memref<128xi32, #tpu.memory_space<vmem>>) semaphore(%arg11 : memref<!tpu.dma_semaphore, #tpu.memory_space<semaphore_mem>>)
      %dma_wait3A = arith.constant 0 : i32
      %dma_wait3A_17 = arith.constant 0 : i32
      %dma_wait3A_18 = tpu.memref_slice %arg2[%dma_wait3A, %dma_wait3A_17] : memref<10240x128xf32, #tpu.memory_space<hbm>> -> memref<10240x128xf32, #tpu.memory_space<hbm>>
      tpu.wait_indirect_dma semaphore(%arg11 : memref<!tpu.dma_semaphore, #tpu.memory_space<semaphore_mem>>) src(%dma_wait3A_18 : memref<10240x128xf32, #tpu.memory_space<hbm>>) dst(%arg9 : memref<128x128xf32, #tpu.memory_space<vmem>>)
      "tpu.region"() ({
        %run_scoped3A = tpu.sem_alloc : memref<!tpu.dma_semaphore, #tpu.memory_space<semaphore_mem>>
        %dma_start3A_19 = arith.constant 0 : i32
        %dma_start3A_20 = arith.constant 0 : i32
        %dma_start3A_21 = tpu.memref_slice %arg10[%dma_start3A_19, %dma_start3A_20] : memref<10240x128xf32, #tpu.memory_space<vmem_shared>> -> memref<10240x128xf32, #tpu.memory_space<vmem_shared>>
        tpu.enqueue_indirect_dma source(%arg9 : memref<128x128xf32, #tpu.memory_space<vmem>>) target(%dma_start3A_21 : memref<10240x128xf32, #tpu.memory_space<vmem_shared>>) offsets(%arg8 : memref<128xi32, #tpu.memory_space<vmem>>) semaphore(%run_scoped3A : memref<!tpu.dma_semaphore, #tpu.memory_space<semaphore_mem>>) {add = true}
        %dma_wait3A_22 = arith.constant 0 : i32
        %dma_wait3A_23 = arith.constant 0 : i32
        %dma_wait3A_24 = tpu.memref_slice %arg10[%dma_wait3A_22, %dma_wait3A_23] : memref<10240x128xf32, #tpu.memory_space<vmem_shared>> -> memref<10240x128xf32, #tpu.memory_space<vmem_shared>>
        tpu.wait_indirect_dma semaphore(%run_scoped3A : memref<!tpu.dma_semaphore, #tpu.memory_space<semaphore_mem>>) src(%arg9 : memref<128x128xf32, #tpu.memory_space<vmem>>) dst(%dma_wait3A_24 : memref<10240x128xf32, #tpu.memory_space<vmem_shared>>)
        tpu.yield
      }) : () -> ()
    }
    %scan3A_9 = arith.constant 80 : i32
    %barrier3A_10 = arith.constant 0 : index
    tpu.barrier barrier_id(%barrier3A_10)
    "tpu.region"() ({
      %run_scoped3A = tpu.sem_alloc : memref<!tpu.dma_semaphore, #tpu.memory_space<semaphore_mem>>
      %dma_start3A = arith.constant 0 : i32
      %dma_start3A_11 = tpu.memref_slice %arg6[%arg0, %mul3A_0, %dma_start3A] : memref<2x10240x128xf32, #tpu.memory_space<hbm>> -> memref<1x640x128xf32, #tpu.memory_space<hbm>>
      %dma_start3A_12 = tpu.memref_squeeze %dma_start3A_11 : memref<1x640x128xf32, #tpu.memory_space<hbm>> -> memref<640x128xf32, #tpu.memory_space<hbm>>
      %dma_start3A_13 = arith.constant 0 : i32
      %dma_start3A_14 = tpu.memref_slice %arg10[%mul3A_0, %dma_start3A_13] : memref<10240x128xf32, #tpu.memory_space<vmem_shared>> -> memref<640x128xf32, #tpu.memory_space<vmem_shared>>
      tpu.enqueue_dma source(%dma_start3A_14 : memref<640x128xf32, #tpu.memory_space<vmem_shared>>) target(%dma_start3A_12 : memref<640x128xf32, #tpu.memory_space<hbm>>) target_semaphore(%run_scoped3A : memref<!tpu.dma_semaphore, #tpu.memory_space<semaphore_mem>>)
      %dma_wait3A = arith.constant 0 : i32
      %dma_wait3A_15 = tpu.memref_slice %arg6[%arg0, %mul3A_0, %dma_wait3A] : memref<2x10240x128xf32, #tpu.memory_space<hbm>> -> memref<1x640x128xf32, #tpu.memory_space<hbm>>
      %dma_wait3A_16 = tpu.memref_squeeze %dma_wait3A_15 : memref<1x640x128xf32, #tpu.memory_space<hbm>> -> memref<640x128xf32, #tpu.memory_space<hbm>>
      %dma_wait3A_17 = arith.constant 0 : i32
      %dma_wait3A_18 = tpu.memref_slice %arg10[%mul3A_0, %dma_wait3A_17] : memref<10240x128xf32, #tpu.memory_space<vmem_shared>> -> memref<640x128xf32, #tpu.memory_space<vmem_shared>>
      tpu.wait_dma2 semaphore(%run_scoped3A : memref<!tpu.dma_semaphore, #tpu.memory_space<semaphore_mem>>) src(%dma_wait3A_18 : memref<640x128xf32, #tpu.memory_space<vmem_shared>>) dst(%dma_wait3A_16 : memref<640x128xf32, #tpu.memory_space<hbm>>)
      tpu.yield
    }) : () -> ()
    return
  }
}

#map = affine_map<(d0, d1) -> (0, 0)>
#map1 = affine_map<(d0, d1) -> (0)>
#map2 = affine_map<(d0, d1) -> (0, 0, 0)>
module attributes {stable_mosaic.version = 14 : i64} {
  func.func @_sc_segsum(%arg0: i32, %arg1: i32, %arg2: memref<10240x128xf32, #tpu.memory_space<hbm>>, %arg3: memref<331776xi32, #tpu.memory_space<hbm>>, %arg4: memref<331776xi32, #tpu.memory_space<hbm>>, %arg5: memref<10240x128xf32, #tpu.memory_space<hbm>>, %arg6: memref<2x10240x128xf32, #tpu.memory_space<hbm>>, %arg7: memref<128xi32, #tpu.memory_space<vmem>>, %arg8: memref<128xi32, #tpu.memory_space<vmem>>, %arg9: memref<128x128xf32, #tpu.memory_space<vmem>>, %arg10: memref<10240x128xf32, #tpu.memory_space<vmem_shared>>, %arg11: memref<!tpu.dma_semaphore, #tpu.memory_space<semaphore_mem>>) attributes {dimension_semantics = [#tpu.dimension_semantics<core_parallel>, #tpu.dimension_semantics<subcore_parallel>], iteration_bounds = array<i64: 2, 16>, scalar_prefetch = 0 : i64, scratch_operands = 5 : i64, tpu.core_type = #tpu.core_type<sc_vector_subcore>, window_params = [{transform_indices = #map}, {transform_indices = #map1}, {transform_indices = #map1}, {transform_indices = #map}, {transform_indices = #map2}]} {
    %mul3A = arith.constant 640 : i32
    %mul3A_0 = arith.muli %arg1, %mul3A : i32
    "tpu.region"() ({
      %run_scoped3A = tpu.sem_alloc : memref<!tpu.dma_semaphore, #tpu.memory_space<semaphore_mem>>
      %dma_start3A = arith.constant 0 : i32
      %dma_start3A_11 = tpu.memref_slice %arg10[%mul3A_0, %dma_start3A] : memref<10240x128xf32, #tpu.memory_space<vmem_shared>> -> memref<640x128xf32, #tpu.memory_space<vmem_shared>>
      %dma_start3A_12 = arith.constant 0 : i32
      %dma_start3A_13 = tpu.memref_slice %arg5[%mul3A_0, %dma_start3A_12] : memref<10240x128xf32, #tpu.memory_space<hbm>> -> memref<640x128xf32, #tpu.memory_space<hbm>>
      tpu.enqueue_dma source(%dma_start3A_13 : memref<640x128xf32, #tpu.memory_space<hbm>>) target(%dma_start3A_11 : memref<640x128xf32, #tpu.memory_space<vmem_shared>>) target_semaphore(%run_scoped3A : memref<!tpu.dma_semaphore, #tpu.memory_space<semaphore_mem>>)
      %dma_wait3A = arith.constant 0 : i32
      %dma_wait3A_14 = tpu.memref_slice %arg10[%mul3A_0, %dma_wait3A] : memref<10240x128xf32, #tpu.memory_space<vmem_shared>> -> memref<640x128xf32, #tpu.memory_space<vmem_shared>>
      %dma_wait3A_15 = arith.constant 0 : i32
      %dma_wait3A_16 = tpu.memref_slice %arg5[%mul3A_0, %dma_wait3A_15] : memref<10240x128xf32, #tpu.memory_space<hbm>> -> memref<640x128xf32, #tpu.memory_space<hbm>>
      tpu.wait_dma2 semaphore(%run_scoped3A : memref<!tpu.dma_semaphore, #tpu.memory_space<semaphore_mem>>) src(%dma_wait3A_16 : memref<640x128xf32, #tpu.memory_space<hbm>>) dst(%dma_wait3A_14 : memref<640x128xf32, #tpu.memory_space<vmem_shared>>)
      tpu.yield
    }) : () -> ()
    %barrier3A = arith.constant 0 : index
    tpu.barrier barrier_id(%barrier3A)
    %mul3A_1 = arith.constant 16 : i32
    %mul3A_2 = arith.muli %arg0, %mul3A_1 : i32
    %add3A = arith.addi %mul3A_2, %arg1 : i32
    %mul3A_3 = arith.constant 10368 : i32
    %mul3A_4 = arith.muli %add3A, %mul3A_3 : i32
    %scan3A = arith.constant 0 : i32
    %scan3A_5 = arith.constant 0 : i32
    %scan3A_6 = arith.constant 80 : i32
    %scan3A_7 = arith.addi %scan3A_5, %scan3A_6 : i32
    %scan3A_8 = arith.constant 1 : i32
    scf.for %scan3A_11 = %scan3A_5 to %scan3A_7 step %scan3A_8  : i32 {
      %mul3A_12 = arith.constant 128 : i32
      %mul3A_13 = arith.muli %scan3A_11, %mul3A_12 : i32
      %add3A_14 = arith.addi %mul3A_4, %mul3A_13 : i32
      %multiple_of3A = tpu.assume_multiple %add3A_14, 8 : i32
      "tpu.region"() ({
        %run_scoped3A = tpu.sem_alloc : memref<!tpu.dma_semaphore, #tpu.memory_space<semaphore_mem>>
        %dma_start3A_19 = tpu.memref_slice %arg3[%multiple_of3A] : memref<331776xi32, #tpu.memory_space<hbm>> -> memref<128xi32, #tpu.memory_space<hbm>>
        %dma_start3A_20 = tpu.memref_slice %arg3[%multiple_of3A] : memref<331776xi32, #tpu.memory_space<hbm>> -> memref<128xi32, #tpu.memory_space<hbm>>
        tpu.enqueue_dma source(%dma_start3A_20 : memref<128xi32, #tpu.memory_space<hbm>>) target(%arg7 : memref<128xi32, #tpu.memory_space<vmem>>) target_semaphore(%run_scoped3A : memref<!tpu.dma_semaphore, #tpu.memory_space<semaphore_mem>>)
        %dma_wait3A_21 = tpu.memref_slice %arg3[%multiple_of3A] : memref<331776xi32, #tpu.memory_space<hbm>> -> memref<128xi32, #tpu.memory_space<hbm>>
        %dma_wait3A_22 = tpu.memref_slice %arg3[%multiple_of3A] : memref<331776xi32, #tpu.memory_space<hbm>> -> memref<128xi32, #tpu.memory_space<hbm>>
        tpu.wait_dma2 semaphore(%run_scoped3A : memref<!tpu.dma_semaphore, #tpu.memory_space<semaphore_mem>>) src(%dma_wait3A_22 : memref<128xi32, #tpu.memory_space<hbm>>) dst(%arg7 : memref<128xi32, #tpu.memory_space<vmem>>)
        tpu.yield
      }) : () -> ()
      "tpu.region"() ({
        %run_scoped3A = tpu.sem_alloc : memref<!tpu.dma_semaphore, #tpu.memory_space<semaphore_mem>>
        %dma_start3A_19 = tpu.memref_slice %arg4[%multiple_of3A] : memref<331776xi32, #tpu.memory_space<hbm>> -> memref<128xi32, #tpu.memory_space<hbm>>
        %dma_start3A_20 = tpu.memref_slice %arg4[%multiple_of3A] : memref<331776xi32, #tpu.memory_space<hbm>> -> memref<128xi32, #tpu.memory_space<hbm>>
        tpu.enqueue_dma source(%dma_start3A_20 : memref<128xi32, #tpu.memory_space<hbm>>) target(%arg8 : memref<128xi32, #tpu.memory_space<vmem>>) target_semaphore(%run_scoped3A : memref<!tpu.dma_semaphore, #tpu.memory_space<semaphore_mem>>)
        %dma_wait3A_21 = tpu.memref_slice %arg4[%multiple_of3A] : memref<331776xi32, #tpu.memory_space<hbm>> -> memref<128xi32, #tpu.memory_space<hbm>>
        %dma_wait3A_22 = tpu.memref_slice %arg4[%multiple_of3A] : memref<331776xi32, #tpu.memory_space<hbm>> -> memref<128xi32, #tpu.memory_space<hbm>>
        tpu.wait_dma2 semaphore(%run_scoped3A : memref<!tpu.dma_semaphore, #tpu.memory_space<semaphore_mem>>) src(%dma_wait3A_22 : memref<128xi32, #tpu.memory_space<hbm>>) dst(%arg8 : memref<128xi32, #tpu.memory_space<vmem>>)
        tpu.yield
      }) : () -> ()
      %dma_start3A = arith.constant 0 : i32
      %dma_start3A_15 = arith.constant 0 : i32
      %dma_start3A_16 = tpu.memref_slice %arg2[%dma_start3A, %dma_start3A_15] : memref<10240x128xf32, #tpu.memory_space<hbm>> -> memref<10240x128xf32, #tpu.memory_space<hbm>>
      tpu.enqueue_indirect_dma source(%dma_start3A_16 : memref<10240x128xf32, #tpu.memory_space<hbm>>) target(%arg9 : memref<128x128xf32, #tpu.memory_space<vmem>>) offsets(%arg7 : memref<128xi32, #tpu.memory_space<vmem>>) semaphore(%arg11 : memref<!tpu.dma_semaphore, #tpu.memory_space<semaphore_mem>>)
      %dma_wait3A = arith.constant 0 : i32
      %dma_wait3A_17 = arith.constant 0 : i32
      %dma_wait3A_18 = tpu.memref_slice %arg2[%dma_wait3A, %dma_wait3A_17] : memref<10240x128xf32, #tpu.memory_space<hbm>> -> memref<10240x128xf32, #tpu.memory_space<hbm>>
      tpu.wait_indirect_dma semaphore(%arg11 : memref<!tpu.dma_semaphore, #tpu.memory_space<semaphore_mem>>) src(%dma_wait3A_18 : memref<10240x128xf32, #tpu.memory_space<hbm>>) dst(%arg9 : memref<128x128xf32, #tpu.memory_space<vmem>>)
      "tpu.region"() ({
        %run_scoped3A = tpu.sem_alloc : memref<!tpu.dma_semaphore, #tpu.memory_space<semaphore_mem>>
        %dma_start3A_19 = arith.constant 0 : i32
        %dma_start3A_20 = arith.constant 0 : i32
        %dma_start3A_21 = tpu.memref_slice %arg10[%dma_start3A_19, %dma_start3A_20] : memref<10240x128xf32, #tpu.memory_space<vmem_shared>> -> memref<10240x128xf32, #tpu.memory_space<vmem_shared>>
        tpu.enqueue_indirect_dma source(%arg9 : memref<128x128xf32, #tpu.memory_space<vmem>>) target(%dma_start3A_21 : memref<10240x128xf32, #tpu.memory_space<vmem_shared>>) offsets(%arg8 : memref<128xi32, #tpu.memory_space<vmem>>) semaphore(%run_scoped3A : memref<!tpu.dma_semaphore, #tpu.memory_space<semaphore_mem>>) {add = true}
        %dma_wait3A_22 = arith.constant 0 : i32
        %dma_wait3A_23 = arith.constant 0 : i32
        %dma_wait3A_24 = tpu.memref_slice %arg10[%dma_wait3A_22, %dma_wait3A_23] : memref<10240x128xf32, #tpu.memory_space<vmem_shared>> -> memref<10240x128xf32, #tpu.memory_space<vmem_shared>>
        tpu.wait_indirect_dma semaphore(%run_scoped3A : memref<!tpu.dma_semaphore, #tpu.memory_space<semaphore_mem>>) src(%arg9 : memref<128x128xf32, #tpu.memory_space<vmem>>) dst(%dma_wait3A_24 : memref<10240x128xf32, #tpu.memory_space<vmem_shared>>)
        tpu.yield
      }) : () -> ()
    }
    %scan3A_9 = arith.constant 80 : i32
    %barrier3A_10 = arith.constant 0 : index
    tpu.barrier barrier_id(%barrier3A_10)
    "tpu.region"() ({
      %run_scoped3A = tpu.sem_alloc : memref<!tpu.dma_semaphore, #tpu.memory_space<semaphore_mem>>
      %dma_start3A = arith.constant 0 : i32
      %dma_start3A_11 = tpu.memref_slice %arg6[%arg0, %mul3A_0, %dma_start3A] : memref<2x10240x128xf32, #tpu.memory_space<hbm>> -> memref<1x640x128xf32, #tpu.memory_space<hbm>>
      %dma_start3A_12 = tpu.memref_squeeze %dma_start3A_11 : memref<1x640x128xf32, #tpu.memory_space<hbm>> -> memref<640x128xf32, #tpu.memory_space<hbm>>
      %dma_start3A_13 = arith.constant 0 : i32
      %dma_start3A_14 = tpu.memref_slice %arg10[%mul3A_0, %dma_start3A_13] : memref<10240x128xf32, #tpu.memory_space<vmem_shared>> -> memref<640x128xf32, #tpu.memory_space<vmem_shared>>
      tpu.enqueue_dma source(%dma_start3A_14 : memref<640x128xf32, #tpu.memory_space<vmem_shared>>) target(%dma_start3A_12 : memref<640x128xf32, #tpu.memory_space<hbm>>) target_semaphore(%run_scoped3A : memref<!tpu.dma_semaphore, #tpu.memory_space<semaphore_mem>>)
      %dma_wait3A = arith.constant 0 : i32
      %dma_wait3A_15 = tpu.memref_slice %arg6[%arg0, %mul3A_0, %dma_wait3A] : memref<2x10240x128xf32, #tpu.memory_space<hbm>> -> memref<1x640x128xf32, #tpu.memory_space<hbm>>
      %dma_wait3A_16 = tpu.memref_squeeze %dma_wait3A_15 : memref<1x640x128xf32, #tpu.memory_space<hbm>> -> memref<640x128xf32, #tpu.memory_space<hbm>>
      %dma_wait3A_17 = arith.constant 0 : i32
      %dma_wait3A_18 = tpu.memref_slice %arg10[%mul3A_0, %dma_wait3A_17] : memref<10240x128xf32, #tpu.memory_space<vmem_shared>> -> memref<640x128xf32, #tpu.memory_space<vmem_shared>>
      tpu.wait_dma2 semaphore(%run_scoped3A : memref<!tpu.dma_semaphore, #tpu.memory_space<semaphore_mem>>) src(%dma_wait3A_18 : memref<640x128xf32, #tpu.memory_space<vmem_shared>>) dst(%dma_wait3A_16 : memref<640x128xf32, #tpu.memory_space<hbm>>)
      tpu.yield
    }) : () -> ()
    return
  }
}

module attributes {stable_mosaic.version = 14 : i64} {
  func.func @_tc_pre_body(%arg0: i32, %arg1: memref<1024x128xf32, #tpu.memory_space<vmem>>, %arg2: memref<128x128xf32, #tpu.memory_space<vmem>>, %arg3: memref<128x128xf32, #tpu.memory_space<vmem>>, %arg4: memref<1x128xf32, #tpu.memory_space<vmem>>, %arg5: memref<1024x128xf32, #tpu.memory_space<vmem>>, %arg6: memref<1024x128xf32, #tpu.memory_space<vmem>>) attributes {dimension_semantics = [#tpu.dimension_semantics<arbitrary>], iteration_bounds = array<i64: 10>, scalar_prefetch = 0 : i64, scratch_operands = 0 : i64, tpu.core_type = #tpu.core_type<tc>, window_params = [{transform_indices = @transform_0, window_bounds = array<i64: 1024, 128>}, {pipeline_mode = #tpu.pipeline_mode<synchronous>, transform_indices = @transform_1, window_bounds = array<i64: 128, 128>}, {pipeline_mode = #tpu.pipeline_mode<synchronous>, transform_indices = @transform_2, window_bounds = array<i64: 128, 128>}, {pipeline_mode = #tpu.pipeline_mode<synchronous>, transform_indices = @transform_3, window_bounds = array<i64: 1, 128>}, {transform_indices = @transform_4, window_bounds = array<i64: 1024, 128>}, {transform_indices = @transform_5, window_bounds = array<i64: 1024, 128>}]} {
    %get3A = arith.constant 0 : index
    %get3A_0 = arith.constant 0 : index
    %get3A_1 = vector.load %arg1[%get3A, %get3A_0] : memref<1024x128xf32, #tpu.memory_space<vmem>>, vector<1024x128xf32>
    %get3A_2 = arith.constant 0 : index
    %get3A_3 = arith.constant 0 : index
    %get3A_4 = vector.load %arg2[%get3A_2, %get3A_3] : memref<128x128xf32, #tpu.memory_space<vmem>>, vector<128x128xf32>
    %dot_general3A = arith.constant dense<0.000000e+00> : vector<1024x128xf32>
    %dot_general3A_5 = tpu.matmul %get3A_1, %get3A_4, %dot_general3A {dimension_numbers = #tpu.dot_dimension_numbers<[1], [1], [0], [0], [0, 0, 1, 0], [], []>, transpose_lhs_hint = false} : vector<1024x128xf32>, vector<128x128xf32>, vector<1024x128xf32> -> vector<1024x128xf32>
    %swap3A = arith.constant 0 : index
    %swap3A_6 = arith.constant 0 : index
    %swap3A_7 = vector.load %arg5[%swap3A, %swap3A_6] : memref<1024x128xf32, #tpu.memory_space<vmem>>, vector<1024x128xf32>
    tpu.vector_store %arg5[%swap3A, %swap3A_6], %dot_general3A_5 {strides = array<i32>} : memref<1024x128xf32, #tpu.memory_space<vmem>>, vector<1024x128xf32>,
    %get3A_8 = arith.constant 0 : index
    %get3A_9 = arith.constant 0 : index
    %get3A_10 = vector.load %arg3[%get3A_8, %get3A_9] : memref<128x128xf32, #tpu.memory_space<vmem>>, vector<128x128xf32>
    %dot_general3A_11 = arith.constant dense<0.000000e+00> : vector<1024x128xf32>
    %dot_general3A_12 = tpu.matmul %get3A_1, %get3A_10, %dot_general3A_11 {dimension_numbers = #tpu.dot_dimension_numbers<[1], [1], [0], [0], [0, 0, 1, 0], [], []>, transpose_lhs_hint = false} : vector<1024x128xf32>, vector<128x128xf32>, vector<1024x128xf32> -> vector<1024x128xf32>
    %get3A_13 = arith.constant 0 : index
    %get3A_14 = arith.constant 0 : index
    %get3A_15 = vector.load %arg4[%get3A_13, %get3A_14] : memref<1x128xf32, #tpu.memory_space<vmem>>, vector<1x128xf32>
    %add3A = vector.broadcast %get3A_15 : vector<1x128xf32> to vector<1024x128xf32>
    %add3A_16 = arith.addf %dot_general3A_12, %add3A : vector<1024x128xf32>
    %swap3A_17 = arith.constant 0 : index
    %swap3A_18 = arith.constant 0 : index
    %swap3A_19 = vector.load %arg6[%swap3A_17, %swap3A_18] : memref<1024x128xf32, #tpu.memory_space<vmem>>, vector<1024x128xf32>
    tpu.vector_store %arg6[%swap3A_17, %swap3A_18], %add3A_16 {strides = array<i32>} : memref<1024x128xf32, #tpu.memory_space<vmem>>, vector<1024x128xf32>,
    return
  }
  func.func @transform_0(%arg0: i32) -> (i32, i32) {
    %c0_i32 = arith.constant 0 : i32
    %c0_i32_0 = arith.constant 0 : i32
    return %arg0, %c0_i32 : i32, i32
  }
  func.func @transform_1(%arg0: i32) -> (i32, i32) {
    %c0_i32 = arith.constant 0 : i32
    %c0_i32_0 = arith.constant 0 : i32
    %c0_i32_1 = arith.constant 0 : i32
    return %c0_i32, %c0_i32_0 : i32, i32
  }
  func.func @transform_2(%arg0: i32) -> (i32, i32) {
    %c0_i32 = arith.constant 0 : i32
    %c0_i32_0 = arith.constant 0 : i32
    %c0_i32_1 = arith.constant 0 : i32
    return %c0_i32, %c0_i32_0 : i32, i32
  }
  func.func @transform_3(%arg0: i32) -> (i32, i32) {
    %c0_i32 = arith.constant 0 : i32
    %c0_i32_0 = arith.constant 0 : i32
    %c0_i32_1 = arith.constant 0 : i32
    return %c0_i32, %c0_i32_0 : i32, i32
  }
  func.func @transform_4(%arg0: i32) -> (i32, i32) {
    %c0_i32 = arith.constant 0 : i32
    %c0_i32_0 = arith.constant 0 : i32
    return %arg0, %c0_i32 : i32, i32
  }
  func.func @transform_5(%arg0: i32) -> (i32, i32) {
    %c0_i32 = arith.constant 0 : i32
    %c0_i32_0 = arith.constant 0 : i32
    return %arg0, %c0_i32 : i32, i32
  }
}

module attributes {stable_mosaic.version = 14 : i64} {
  func.func @_tc_mid_body(%arg0: i32, %arg1: memref<1024x128xf32, #tpu.memory_space<vmem>>, %arg2: memref<1024x128xf32, #tpu.memory_space<vmem>>, %arg3: memref<32x1024xf32, #tpu.memory_space<vmem>>, %arg4: memref<1024x128xf32, #tpu.memory_space<vmem>>, %arg5: memref<1x128xf32, #tpu.memory_space<vmem>>, %arg6: memref<1x128xf32, #tpu.memory_space<vmem>>, %arg7: memref<128x128xf32, #tpu.memory_space<vmem>>, %arg8: memref<128x128xf32, #tpu.memory_space<vmem>>, %arg9: memref<1x128xf32, #tpu.memory_space<vmem>>, %arg10: memref<1024x128xf32, #tpu.memory_space<vmem>>, %arg11: memref<1024x128xf32, #tpu.memory_space<vmem>>) attributes {dimension_semantics = [#tpu.dimension_semantics<arbitrary>], iteration_bounds = array<i64: 10>, scalar_prefetch = 0 : i64, scratch_operands = 0 : i64, tpu.core_type = #tpu.core_type<tc>, window_params = [{transform_indices = @transform_0, window_bounds = array<i64: 1024, 128>}, {transform_indices = @transform_1, window_bounds = array<i64: 1024, 128>}, {transform_indices = @transform_2, window_bounds = array<i64: 32, 1024>}, {transform_indices = @transform_3, window_bounds = array<i64: 1024, 128>}, {pipeline_mode = #tpu.pipeline_mode<synchronous>, transform_indices = @transform_4, window_bounds = array<i64: 1, 128>}, {pipeline_mode = #tpu.pipeline_mode<synchronous>, transform_indices = @transform_5, window_bounds = array<i64: 1, 128>}, {pipeline_mode = #tpu.pipeline_mode<synchronous>, transform_indices = @transform_6, window_bounds = array<i64: 128, 128>}, {pipeline_mode = #tpu.pipeline_mode<synchronous>, transform_indices = @transform_7, window_bounds = array<i64: 128, 128>}, {pipeline_mode = #tpu.pipeline_mode<synchronous>, transform_indices = @transform_8, window_bounds = array<i64: 1, 128>}, {transform_indices = @transform_9, window_bounds = array<i64: 1024, 128>}, {transform_indices = @transform_10, window_bounds = array<i64: 1024, 128>}]} {
    %get3A = arith.constant 0 : index
    %get3A_0 = arith.constant 0 : index
    %get3A_1 = vector.load %arg3[%get3A, %get3A_0] : memref<32x1024xf32, #tpu.memory_space<vmem>>, vector<32x1024xf32>
    %reduce_sum3A = arith.constant dense<0.000000e+00> : vector<1024xf32>
    %reduce_sum3A_2 = vector.multi_reduction <add>, %get3A_1, %reduce_sum3A [0] : vector<32x1024xf32> to vector<1024xf32>
    %broadcast_in_dim3A = vector.shape_cast %reduce_sum3A_2 : vector<1024xf32> to vector<1024x1xf32>
    %max3A = arith.constant 1.000000e+00 : f32
    %max3A_3 = vector.broadcast %max3A : f32 to vector<1024x1xf32>
    %max3A_4 = arith.maximumf %broadcast_in_dim3A, %max3A_3 : vector<1024x1xf32>
    %div3A = arith.constant 1.000000e+00 : f32
    %div3A_5 = vector.broadcast %div3A : f32 to vector<1024x1xf32>
    %div3A_6 = arith.divf %div3A_5, %max3A_4 : vector<1024x1xf32>
    %get3A_7 = arith.constant 0 : index
    %get3A_8 = arith.constant 0 : index
    %get3A_9 = vector.load %arg1[%get3A_7, %get3A_8] : memref<1024x128xf32, #tpu.memory_space<vmem>>, vector<1024x128xf32>
    %get3A_10 = arith.constant 0 : index
    %get3A_11 = arith.constant 0 : index
    %get3A_12 = vector.load %arg2[%get3A_10, %get3A_11] : memref<1024x128xf32, #tpu.memory_space<vmem>>, vector<1024x128xf32>
    %add3A = arith.addf %get3A_9, %get3A_12 : vector<1024x128xf32>
    %mul3A = vector.broadcast %div3A_6 : vector<1024x1xf32> to vector<1024x128xf32>
    %mul3A_13 = arith.mulf %add3A, %mul3A : vector<1024x128xf32>
    %get3A_14 = arith.constant 0 : index
    %get3A_15 = arith.constant 0 : index
    %get3A_16 = vector.load %arg4[%get3A_14, %get3A_15] : memref<1024x128xf32, #tpu.memory_space<vmem>>, vector<1024x128xf32>
    %add3A_17 = arith.addf %mul3A_13, %get3A_16 : vector<1024x128xf32>
    %get3A_18 = arith.constant 0 : index
    %get3A_19 = arith.constant 0 : index
    %get3A_20 = vector.load %arg5[%get3A_18, %get3A_19] : memref<1x128xf32, #tpu.memory_space<vmem>>, vector<1x128xf32>
    %mul3A_21 = vector.broadcast %get3A_20 : vector<1x128xf32> to vector<1024x128xf32>
    %mul3A_22 = arith.mulf %add3A_17, %mul3A_21 : vector<1024x128xf32>
    %get3A_23 = arith.constant 0 : index
    %get3A_24 = arith.constant 0 : index
    %get3A_25 = vector.load %arg6[%get3A_23, %get3A_24] : memref<1x128xf32, #tpu.memory_space<vmem>>, vector<1x128xf32>
    %add3A_26 = vector.broadcast %get3A_25 : vector<1x128xf32> to vector<1024x128xf32>
    %add3A_27 = arith.addf %mul3A_22, %add3A_26 : vector<1024x128xf32>
    %max3A_28 = arith.constant 0.000000e+00 : f32
    %max3A_29 = vector.broadcast %max3A_28 : f32 to vector<1024x128xf32>
    %max3A_30 = arith.maximumf %add3A_27, %max3A_29 : vector<1024x128xf32>
    %get3A_31 = arith.constant 0 : index
    %get3A_32 = arith.constant 0 : index
    %get3A_33 = vector.load %arg7[%get3A_31, %get3A_32] : memref<128x128xf32, #tpu.memory_space<vmem>>, vector<128x128xf32>
    %dot_general3A = arith.constant dense<0.000000e+00> : vector<1024x128xf32>
    %dot_general3A_34 = tpu.matmul %max3A_30, %get3A_33, %dot_general3A {dimension_numbers = #tpu.dot_dimension_numbers<[1], [1], [0], [0], [0, 0, 1, 0], [], []>, transpose_lhs_hint = false} : vector<1024x128xf32>, vector<128x128xf32>, vector<1024x128xf32> -> vector<1024x128xf32>
    %swap3A = arith.constant 0 : index
    %swap3A_35 = arith.constant 0 : index
    %swap3A_36 = vector.load %arg10[%swap3A, %swap3A_35] : memref<1024x128xf32, #tpu.memory_space<vmem>>, vector<1024x128xf32>
    tpu.vector_store %arg10[%swap3A, %swap3A_35], %dot_general3A_34 {strides = array<i32>} : memref<1024x128xf32, #tpu.memory_space<vmem>>, vector<1024x128xf32>,
    %get3A_37 = arith.constant 0 : index
    %get3A_38 = arith.constant 0 : index
    %get3A_39 = vector.load %arg8[%get3A_37, %get3A_38] : memref<128x128xf32, #tpu.memory_space<vmem>>, vector<128x128xf32>
    %dot_general3A_40 = arith.constant dense<0.000000e+00> : vector<1024x128xf32>
    %dot_general3A_41 = tpu.matmul %max3A_30, %get3A_39, %dot_general3A_40 {dimension_numbers = #tpu.dot_dimension_numbers<[1], [1], [0], [0], [0, 0, 1, 0], [], []>, transpose_lhs_hint = false} : vector<1024x128xf32>, vector<128x128xf32>, vector<1024x128xf32> -> vector<1024x128xf32>
    %get3A_42 = arith.constant 0 : index
    %get3A_43 = arith.constant 0 : index
    %get3A_44 = vector.load %arg9[%get3A_42, %get3A_43] : memref<1x128xf32, #tpu.memory_space<vmem>>, vector<1x128xf32>
    %add3A_45 = vector.broadcast %get3A_44 : vector<1x128xf32> to vector<1024x128xf32>
    %add3A_46 = arith.addf %dot_general3A_41, %add3A_45 : vector<1024x128xf32>
    %swap3A_47 = arith.constant 0 : index
    %swap3A_48 = arith.constant 0 : index
    %swap3A_49 = vector.load %arg11[%swap3A_47, %swap3A_48] : memref<1024x128xf32, #tpu.memory_space<vmem>>, vector<1024x128xf32>
    tpu.vector_store %arg11[%swap3A_47, %swap3A_48], %add3A_46 {strides = array<i32>} : memref<1024x128xf32, #tpu.memory_space<vmem>>, vector<1024x128xf32>,
    return
  }
  func.func @transform_0(%arg0: i32) -> (i32, i32) {
    %c0_i32 = arith.constant 0 : i32
    %c0_i32_0 = arith.constant 0 : i32
    return %arg0, %c0_i32 : i32, i32
  }
  func.func @transform_1(%arg0: i32) -> (i32, i32) {
    %c0_i32 = arith.constant 0 : i32
    %c0_i32_0 = arith.constant 0 : i32
    return %arg0, %c0_i32 : i32, i32
  }
  func.func @transform_2(%arg0: i32) -> (i32, i32) {
    %c0_i32 = arith.constant 0 : i32
    %c0_i32_0 = arith.constant 0 : i32
    return %c0_i32, %arg0 : i32, i32
  }
  func.func @transform_3(%arg0: i32) -> (i32, i32) {
    %c0_i32 = arith.constant 0 : i32
    %c0_i32_0 = arith.constant 0 : i32
    return %arg0, %c0_i32 : i32, i32
  }
  func.func @transform_4(%arg0: i32) -> (i32, i32) {
    %c0_i32 = arith.constant 0 : i32
    %c0_i32_0 = arith.constant 0 : i32
    %c0_i32_1 = arith.constant 0 : i32
    return %c0_i32, %c0_i32_0 : i32, i32
  }
  func.func @transform_5(%arg0: i32) -> (i32, i32) {
    %c0_i32 = arith.constant 0 : i32
    %c0_i32_0 = arith.constant 0 : i32
    %c0_i32_1 = arith.constant 0 : i32
    return %c0_i32, %c0_i32_0 : i32, i32
  }
  func.func @transform_6(%arg0: i32) -> (i32, i32) {
    %c0_i32 = arith.constant 0 : i32
    %c0_i32_0 = arith.constant 0 : i32
    %c0_i32_1 = arith.constant 0 : i32
    return %c0_i32, %c0_i32_0 : i32, i32
  }
  func.func @transform_7(%arg0: i32) -> (i32, i32) {
    %c0_i32 = arith.constant 0 : i32
    %c0_i32_0 = arith.constant 0 : i32
    %c0_i32_1 = arith.constant 0 : i32
    return %c0_i32, %c0_i32_0 : i32, i32
  }
  func.func @transform_8(%arg0: i32) -> (i32, i32) {
    %c0_i32 = arith.constant 0 : i32
    %c0_i32_0 = arith.constant 0 : i32
    %c0_i32_1 = arith.constant 0 : i32
    return %c0_i32, %c0_i32_0 : i32, i32
  }
  func.func @transform_9(%arg0: i32) -> (i32, i32) {
    %c0_i32 = arith.constant 0 : i32
    %c0_i32_0 = arith.constant 0 : i32
    return %arg0, %c0_i32 : i32, i32
  }
  func.func @transform_10(%arg0: i32) -> (i32, i32) {
    %c0_i32 = arith.constant 0 : i32
    %c0_i32_0 = arith.constant 0 : i32
    return %arg0, %c0_i32 : i32, i32
  }
}

module attributes {stable_mosaic.version = 14 : i64} {
  func.func @_tc_post_body(%arg0: i32, %arg1: memref<1024x128xf32, #tpu.memory_space<vmem>>, %arg2: memref<1024x128xf32, #tpu.memory_space<vmem>>, %arg3: memref<32x1024xf32, #tpu.memory_space<vmem>>, %arg4: memref<1024x128xf32, #tpu.memory_space<vmem>>, %arg5: memref<1024x128xf32, #tpu.memory_space<vmem>>) attributes {dimension_semantics = [#tpu.dimension_semantics<arbitrary>], iteration_bounds = array<i64: 10>, scalar_prefetch = 0 : i64, scratch_operands = 0 : i64, tpu.core_type = #tpu.core_type<tc>, window_params = [{transform_indices = @transform_0, window_bounds = array<i64: 1024, 128>}, {transform_indices = @transform_1, window_bounds = array<i64: 1024, 128>}, {transform_indices = @transform_2, window_bounds = array<i64: 32, 1024>}, {transform_indices = @transform_3, window_bounds = array<i64: 1024, 128>}, {transform_indices = @transform_4, window_bounds = array<i64: 1024, 128>}]} {
    %get3A = arith.constant 0 : index
    %get3A_0 = arith.constant 0 : index
    %get3A_1 = vector.load %arg3[%get3A, %get3A_0] : memref<32x1024xf32, #tpu.memory_space<vmem>>, vector<32x1024xf32>
    %reduce_sum3A = arith.constant dense<0.000000e+00> : vector<1024xf32>
    %reduce_sum3A_2 = vector.multi_reduction <add>, %get3A_1, %reduce_sum3A [0] : vector<32x1024xf32> to vector<1024xf32>
    %broadcast_in_dim3A = vector.shape_cast %reduce_sum3A_2 : vector<1024xf32> to vector<1024x1xf32>
    %max3A = arith.constant 1.000000e+00 : f32
    %max3A_3 = vector.broadcast %max3A : f32 to vector<1024x1xf32>
    %max3A_4 = arith.maximumf %broadcast_in_dim3A, %max3A_3 : vector<1024x1xf32>
    %div3A = arith.constant 1.000000e+00 : f32
    %div3A_5 = vector.broadcast %div3A : f32 to vector<1024x1xf32>
    %div3A_6 = arith.divf %div3A_5, %max3A_4 : vector<1024x1xf32>
    %get3A_7 = arith.constant 0 : index
    %get3A_8 = arith.constant 0 : index
    %get3A_9 = vector.load %arg1[%get3A_7, %get3A_8] : memref<1024x128xf32, #tpu.memory_space<vmem>>, vector<1024x128xf32>
    %get3A_10 = arith.constant 0 : index
    %get3A_11 = arith.constant 0 : index
    %get3A_12 = vector.load %arg2[%get3A_10, %get3A_11] : memref<1024x128xf32, #tpu.memory_space<vmem>>, vector<1024x128xf32>
    %add3A = arith.addf %get3A_9, %get3A_12 : vector<1024x128xf32>
    %mul3A = vector.broadcast %div3A_6 : vector<1024x1xf32> to vector<1024x128xf32>
    %mul3A_13 = arith.mulf %add3A, %mul3A : vector<1024x128xf32>
    %get3A_14 = arith.constant 0 : index
    %get3A_15 = arith.constant 0 : index
    %get3A_16 = vector.load %arg4[%get3A_14, %get3A_15] : memref<1024x128xf32, #tpu.memory_space<vmem>>, vector<1024x128xf32>
    %add3A_17 = arith.addf %mul3A_13, %get3A_16 : vector<1024x128xf32>
    %swap3A = arith.constant 0 : index
    %swap3A_18 = arith.constant 0 : index
    %swap3A_19 = vector.load %arg5[%swap3A, %swap3A_18] : memref<1024x128xf32, #tpu.memory_space<vmem>>, vector<1024x128xf32>
    tpu.vector_store %arg5[%swap3A, %swap3A_18], %add3A_17 {strides = array<i32>} : memref<1024x128xf32, #tpu.memory_space<vmem>>, vector<1024x128xf32>,
    return
  }
  func.func @transform_0(%arg0: i32) -> (i32, i32) {
    %c0_i32 = arith.constant 0 : i32
    %c0_i32_0 = arith.constant 0 : i32
    return %arg0, %c0_i32 : i32, i32
  }
  func.func @transform_1(%arg0: i32) -> (i32, i32) {
    %c0_i32 = arith.constant 0 : i32
    %c0_i32_0 = arith.constant 0 : i32
    return %arg0, %c0_i32 : i32, i32
  }
  func.func @transform_2(%arg0: i32) -> (i32, i32) {
    %c0_i32 = arith.constant 0 : i32
    %c0_i32_0 = arith.constant 0 : i32
    return %c0_i32, %arg0 : i32, i32
  }
  func.func @transform_3(%arg0: i32) -> (i32, i32) {
    %c0_i32 = arith.constant 0 : i32
    %c0_i32_0 = arith.constant 0 : i32
    return %arg0, %c0_i32 : i32, i32
  }
  func.func @transform_4(%arg0: i32) -> (i32, i32) {
    %c0_i32 = arith.constant 0 : i32
    %c0_i32_0 = arith.constant 0 : i32
    return %arg0, %c0_i32 : i32, i32
  }
}

</mosaic_0001>

<sc_bundles>
// kernel: kernel.11.cloned.1.call-start
scs
__scs_entry_jumppad:
0x0: {  	(pc) =	sbr.rel $0x88, $3  }
0x1: {  	(tag) =	ssettag $0x0;
	lr =	simm.s32 $0x1  }
0x2: {  	[smem:$0x3F97] =	sst lr;
	_ =	strace $0xD0000000  }
0x3: {  	_ = 	snop  }
0x4: {  	_ = 	snop  }
0x5: {  	_ = 	snop  }
0x6: {  	_ = 	snop  }
0x7: {  	_ = 	snop  }
__scs_overlays_trampoline_lowered:
0x8: {  	[smem:$0x3FA6] =	sst s0  }
0x9: {  	[smem:$0x3FA7] =	sst s1  }
0xa: {  	[smem:$0x3FA8] =	sst s2  }
0xb: {  	[smem:$0x3FA9] =	sst s3  }
0xc: {  	[smem:$0x3FAA] =	sst s4  }
0xd: {  	[smem:$0x3FAB] =	sst s5  }
0xe: {  	[smem:$0x3FAC] =	sst s6  }
0xf: {  	[smem:$0x3FAD] =	sst s7  }
0x10: {  	[smem:$0x3FAE] =	sst s8  }
0x11: {  	[smem:$0x3FAF] =	sst s9;
	s0 =	simm.s32 @!p0 $0x0  }
0x12: {  	s1 =	sld [smem:$0x3F95];
	s0 =	simm.s32 @p0 $0x1  }
0x13: {  	[smem:$0x3FB0] =	sst s0;
	s0 =	simm.s32 @!p1 $0x0  }
0x14: {  	s2 =	sld [smem:$0x3F94];
	s0 =	simm.s32 @p1 $0x1  }
0x15: {  	[smem:$0x3FB1] =	sst s0;
	s0 =	simm.s32 @!p2 $0x0  }
0x16: {  	s3 =	sld [smem:$0x3FDB];
	s0 =	simm.s32 @p2 $0x1  }
0x17: {  	s4 =	simm.s32 $0x1BF5;
	[smem:$0x3FB3] =	sst s0  }
0x18: {  	s0 =	sld [smem:$0x3F96];
	_ =	swait.ge [sflag:s4], $0x0  }
0x19: {  	s7 =	sld [smem:$0x3F97]  }
0x1a: {  	s8 =	sadd.s32 $0xFFFFE003, lr  }
0x1b: {  	s9 =	sadd.s32 $0xFFFFFEF7, lr;
	s5 =	simm.s32 $0xFFFFFFFF;
	p2 =	slt.u32 s8, $0xFFFFF086  }
0x1c: {  	p1 =	slt.u32 s9, $0xF7A;
	s5 =	simm.s32 @!p2 $0x0  }
0x1d: {  	s5 =	simm.s32 @p1 $0x1;
	p0 =	seq.s32 s7, s2  }
0x1e: {  	s7 =	smul.u32 @!p0 $0xF7A, s2;
	p2 =	seq.s32 @!p0 s5, $0x0  }
0x1f: {  	s9 =	smul.u32 $0xF7A, s1;
	s8 =	simm.s32 @!p0 $0x1BF5;
	p2 =	por !p2, p0  }
0x20: {  	[sflag:s8] =	ssyncset.s32 @!p0 $0xFFFFF086;
	s6 =	sadd.s32 @!p0 s3, s7;
	s7 =	simm.s32 @!p0 $0x108  }
0x21: {  	s3 =	sadd.s32 s3, s9;
	s6 =	sadd.s32 @!p0 $0x88, s6;
	s7 =	simm.s32 @p2 $0x1082  }
0x22: {  	[simem:s7], [sflag:s8] =	dma.local @!p0 [hbm:s6], $0xF7A  }
0x23: {  	s9 =	sor.u32 $0xD0000000, s2;
	s6 =	simm.s32 $0x108;
	_ =	swait.ge @!p0 [sflag:s8], $0x0  }
0x24: {  	s3 =	sadd.s32 $0x88, s3;
	s6 =	simm.s32 @!p1 $0x1082;
	[sflag:s4] =	ssyncset.s32 $0xFFFFF086  }
0x25: {  	[simem:s6], [sflag:s4] =	dma.local [hbm:s3], $0xF7A  }
0x26: {  	[smem:$0x3F97] =	sst s1;
	(tag) =	ssettag s2;
	_ =	strace s9  }
0x27: {  	s1 =	sld [smem:$0x3FA7]  }
0x28: {  	s2 =	sld [smem:$0x3FA8]  }
0x29: {  	s4 =	sld [smem:$0x3FAA]  }
0x2a: {  	p0 =	seq.s32 s5, $0x0;
	s5 =	sld [smem:$0x3FAB]  }
0x2b: {  	s6 =	sld [smem:$0x3FAC]  }
0x2c: {  	s7 =	sld [smem:$0x3FAD]  }
0x2d: {  	s3 =	simm.s32 $0x108;
	s8 =	sld [smem:$0x3FAE]  }
0x2e: {  	s3 =	simm.s32 @!p0 $0x1082;
	s9 =	sld [smem:$0x3FAF]  }
0x2f: {  	lr =	sadd.s32 s0, s3;
	s0 =	sld [smem:$0x3FA6]  }
0x30: {  	s3 =	sld [smem:$0x3FA9]  }
0x31: {  	[smem:$0x3FB2] =	sst s10  }
0x32: {  	s10 =	sld [smem:$0x3FB0];
	_ =	sdelay $0x3  }
0x33: {  	p0 =	seq.s32 s10, $0x1;
	s10 =	sld [smem:$0x3FB2];
	_ =	sdelay $0x3  }
0x34: {  	[smem:$0x3FB2] =	sst s10  }
0x35: {  	s10 =	sld [smem:$0x3FB1];
	_ =	sdelay $0x3  }
0x36: {  	p1 =	seq.s32 s10, $0x1;
	s10 =	sld [smem:$0x3FB2];
	_ =	sdelay $0x3  }
0x37: {  	[smem:$0x3FB2] =	sst s10  }
0x38: {  	s10 =	sld [smem:$0x3FB3]  }
0x39: {  	_ = 	snop;
	(pc) =	sbr.ind lr, $3  }
0x3a: {  	_ = 	snop  }
0x3b: {  	_ = 	snop  }
0x3c: {  	p2 =	seq.s32 s10, $0x1;
	s10 =	sld [smem:$0x3FB2]  }
0x3d: {  	_ =	shalt  }
0x3e: {  	_ =	shalt  }
0x3f: {  	_ =	shalt  }
0x40: {  	_ =	shalt  }
0x41: {  	_ =	shalt  }
0x42: {  	_ =	shalt  }
0x43: {  	_ =	shalt  }
0x44: {  	_ =	shalt  }
0x45: {  	_ =	shalt  }
0x46: {  	_ =	shalt  }
0x47: {  	_ =	shalt  }
0x48: {  	_ =	shalt  }
0x49: {  	_ =	shalt  }
0x4a: {  	_ =	shalt  }
0x4b: {  	_ =	shalt  }
0x4c: {  	_ =	shalt  }
0x4d: {  	_ =	shalt  }
0x4e: {  	_ =	shalt  }
0x4f: {  	_ =	shalt  }
0x50: {  	_ =	shalt  }
0x51: {  	_ =	shalt  }
0x52: {  	_ =	shalt  }
0x53: {  	_ =	shalt  }
0x54: {  	_ =	shalt  }
0x55: {  	_ =	shalt  }
0x56: {  	_ =	shalt  }
0x57: {  	_ =	shalt  }
0x58: {  	_ =	shalt  }
0x59: {  	_ =	shalt  }
0x5a: {  	_ =	shalt  }
0x5b: {  	_ =	shalt  }
0x5c: {  	_ =	shalt  }
0x5d: {  	_ =	shalt  }
0x5e: {  	_ =	shalt  }
0x5f: {  	_ =	shalt  }
0x60: {  	_ =	shalt  }
0x61: {  	_ =	shalt  }
0x62: {  	_ =	shalt  }
0x63: {  	_ =	shalt  }
0x64: {  	_ =	shalt  }
0x65: {  	_ =	shalt  }
0x66: {  	_ =	shalt  }
0x67: {  	_ =	shalt  }
0x68: {  	_ =	shalt  }
0x69: {  	_ =	shalt  }
0x6a: {  	_ =	shalt  }
0x6b: {  	_ =	shalt  }
0x6c: {  	_ =	shalt  }
0x6d: {  	_ =	shalt  }
0x6e: {  	_ =	shalt  }
0x6f: {  	_ =	shalt  }
0x70: {  	_ =	shalt  }
0x71: {  	_ =	shalt  }
0x72: {  	_ =	shalt  }
0x73: {  	_ =	shalt  }
0x74: {  	_ =	shalt  }
0x75: {  	_ =	shalt  }
0x76: {  	_ =	shalt  }
0x77: {  	_ =	shalt  }
0x78: {  	_ =	shalt  }
0x79: {  	_ =	shalt  }
0x7a: {  	_ =	shalt  }
0x7b: {  	_ =	shalt  }
0x7c: {  	_ =	shalt  }
0x7d: {  	_ =	shalt  }
0x7e: {  	_ =	shalt  }
0x7f: {  	_ =	shalt  }
0x80: {  	_ =	shalt  }
0x81: {  	_ =	shalt  }
0x82: {  	_ =	shalt  }
0x83: {  	_ =	shalt  }
0x84: {  	_ =	shalt  }
0x85: {  	_ =	shalt  }
0x86: {  	_ =	shalt  }
0x87: {  	_ =	shalt  }
.Lfunc_end0:
.L_simem_size_0:
called_computation.1_lowered:
.L_overlay_start_0:
0x88: {  	s2 =	sld [smem:$0x3FD9]  }
0x89: {  	s3 =	sld [smem:$0x3FFE];
	_ =	sdelay $0x1  }
0x8a: {  	s1 =	srdreg.scid  }
0x8b: {  	s0 =	sand.u32 $0x1, s1  }
0x8c: {  	s17 =	sshll.u32 s0, $0xA;
	s2 =	sadd.s32 s3, s2  }
0x8d: {  	s2 =	sadd.s32 s2, s17  }
0x8e: {  	[smem:$0x3FBE] =	sst s2  }
0x8f: {  	_ = 	snop  }
0x90: {  	s2 =	sld [smem:$0x3FD0];
	(tm) =	ssettm $0x1  }
0x91: {  	s18 =	sld [smem:$0x3FFB];
	_ =	sdelay $0x3  }
0x92: {  	_ =	strace s18  }
0x93: {  	s3 =	sld [smem:$0x3FFC];
	_ =	sdelay $0x3  }
0x94: {  	_ =	strace s3  }
0x95: {  	s3 =	sld [smem:$0x3FFD];
	_ =	sdelay $0x3  }
0x96: {  	_ =	strace s3  }
0x97: {  	_ =	strace $0x8FFFFFFF  }
0x98: {  	s19 =	sld [smem:$0x3FDB];
	_ =	sdelay $0x1  }
0x99: {  	s4 =	simm.s32 $_scs_section_size  }
0x9a: {  	s5 =	simm.s32 $_size__tile_overlayer_lowered;
	s6 =	simm.s32 $_tile_overlayer_lowered  }
0x9b: {  	s22 =	simm.s32 $0x1BFF;
	s21 =	sshll.u32 s6, $0x1;
	s3 =	sadd.s32 s4, s19  }
0x9c: {  	s7 =	simm.s32 $0x0;
	s20 =	sshll.u32 s5, $0x1;
	s5 =	sadd.s32 s21, s3  }
0x9d: {  	[timem:s7], [sflag:s22] =	dma.local [hbm:s5], s20  }
0x9e: {  	_ =	swait.ge [sflag:s22], s20  }
0x9f: {  	s4 =	ssub.s32 $0x0, s20;
	[sflag:s22] =	ssyncset.done $0x0  }
0xa0: {  	[sflag:s22] =	ssyncadd.s32 s4;
	_ =	sdelay $0x1  }
0xa1: {  	s23 =	simm.s32 $0x1B8B  }
0xa2: {  	_ =	swait.ge [sflag:s23], $0x1  }
0xa3: {  	[sflag:s23] =	ssyncset.done $0x0  }
0xa4: {  	s25 =	simm.s32 $0x1B8E;
	s24 =	sld [smem:$0x3FFE];
	[sflag:s23] =	ssyncadd.s32 $0xFFFFFFFF  }
0xa5: {  	s26 =	simm.s32 $execute0_lowered;
	[smem:$0x3FD2] =	sst s25  }
0xa6: {  	s5 =	sshll.u32 s26, $0x1;
	_ =	strace $0x80000046;
	[dreg:$0x1] =	wrdreg $0xFFFFFFFF  }
0xa7: {  	s28 =	simm.s32 $_size_execute0_lowered;
	s3 =	sadd.s32 s3, s5;
	[dreg:$0x0] =	wrdreg $0x0  }
0xa8: {  	s5 =	sshll.u32 s28, $0x1;
	[dreg:$0x2] =	wrdreg s3  }
0xa9: {  	[dreg:$0x3] =	wrdreg s5  }
0xaa: {  	[dreg:$0x4] =	wrdreg $0xC0  }
0xab: {  	_ =	task [dreg:s7], $0x5FFFF  }
0xac: {  	[dreg:$0x1] =	wrdreg $0xFFFFFFFF  }
0xad: {  	[dreg:$0x0] =	wrdreg $0x60  }
0xae: {  	[dreg:$0x2] =	wrdreg s24  }
0xaf: {  	[dreg:$0x3] =	wrdreg s2  }
0xb0: {  	[dreg:$0x4] =	wrdreg $0x41000  }
0xb1: {  	[dreg:$0x5] =	wrdreg $0xA  }
0xb2: {  	_ =	task.clear_ibuf [dreg:s7], $0x6FFFF;
	_ =	strace $0x90000046  }
0xb3: {  	s29 =	simm.s32 $0xA;
	_ =	strace $0x80000048  }
0xb4: {  	_ =	swait.ge [sflag:s29], $0x1  }
0xb5: {  	[sflag:s29] =	ssyncadd.s32 $0xFFFFFFFF  }
0xb6: {  	_ =	strace $0x90000048  }
0xb7: {  	_ =	sfence  }
0xb8: {  	s30 =	sld [smem:$0x0];
	_ =	sdelay $0x2  }
0xb9: {  	s31 =	sshll.u32 s1, $0xD;
	s1 =	sshrl.u32 s1, $0x2  }
0xba: {  	s3 =	sand.u32 $0x4000, s31;
	s1 =	sadd.s32 s1, s30  }
0xbb: {  	s0 =	sor.u32 s3, s0;
	s1 =	sshll.u32 s1, $0x11  }
0xbc: {  	s0 =	sor.u32 s1, s0  }
0xbd: {  	s0 =	sadd.s32 $0x8F2B, s0  }
0xbe: {  	[sflag:s0] =	ssyncadd.remote.s32 $0x1  }
0xbf: {  	_ =	sfence.sel $0xFFFF  }
0xc0: {  	[dreg:$0x0] =	wrdreg $0xFFFFFFFF;
	(pc) =	sbr.abs _section_cstart, $3  }
0xc1: {  	[dreg:$0x1] =	wrdreg $0xFFFFFFFF  }
0xc2: {  	_ =	task.clear_ibuf [dreg:s7], $0x2FFFF;
	_ =	strace $0x9FFFFFFF  }
0xc3: {  	(tm) =	ssettm $0x7FFFFFFF  }
tec
execute0_lowered:
.L_overlay_start_1:
0x0: {  	(tag) =	ssettag $0x1  }
0x1: {  	s5 =	rddreg [dreg:$0x0]  }
0x2: {  	s8 =	rddreg [dreg:$0x1]  }
0x3: {  	s0 =	srdreg.scid;
	s1 =	stileid.u32  }
0x4: {  	s2 =	rddreg [dreg:$0x2];
	s7 =	smul.u32 $0x14000, s1  }
0x5: {  	s3 =	simm.s32 $0x0;
	s15 =	simm.s32 $0x1;
	s13 =	smul.u32 $0x50000, s1  }
0x6: {  	s6 =	sand.u32 $0x1, s0;
	s0 =	rddreg [dreg:$0x3];
	s30 =	smul.u32 $0x510, s1  }
0x7: {  	s16 =	simm.s32 $0x0;
	[smem:$0x7FF] =	sst s3;
	s9 =	smul.u32 $0x5100, s6  }
0x8: {  	s4 =	sadd.s32 $0xCE00, s5;
	s29 =	sshll.u32 s1, $0x6;
	s10 =	smul.u32 $0x140000, s6  }
0x9: {  	_ =	strace $0x80000047;
	s6 =	ssub.s32 $0x2, s6;
	s12 =	sshrl.u32 s7, $0x3  }
0xa: {  	s26 =	sshrl.u32 s6, $0x1;
	s28 =	sshrl.u32 s13, $0x2;
	s13 =	simm.s32 $0x80  }
0xb: {  	s11 =	sadd.s32 s9, s5;
	s7 =	sadd.s32 s7, s10;
	s12 =	sadd.s32 s12, s5  }
0xc: {  	s10 =	ssub.s32 s6, s26;
	s14 =	sadd.s32 s28, s2;
	s6 =	sor.u32 $0x1C02, s29  }
0xd: {  	s31 =	sadd.s32 s9, s8;
	s7 =	sshrl.u32 s7, $0x3;
	s11 =	sadd.s32 s30, s11  }
0xe: {  	s8 =	smax.u32 s10, $0x1;
	s10 =	sadd.s32 s30, s31;
	s7 =	sadd.s32 s7, s5  }
0xf: {  	s5 =	sadd.s32 $0x5CE00, s12;
	s9 =	sadd.s32 $0x2C00, s11;
	s11 =	sshrl.u32 s14, $0x3  }
0x10: {  	s12 =	simm.s32 $0x2;
	s14 =	simm.s32 $0x100;
	s7 =	sadd.s32 $0x84E00, s7  }
.LBB2_1:
0x11: {  	[spmem:s11], [sflag:s6] =	dma.local [hbm:s5], $0x2800  }
0x12: {  	_ =	swait.ge [sflag:s12], $0x2800  }
0x13: {  	[sflag:s12] =	ssyncset.done $0x0  }
0x14: {  	[sflag:s12] =	ssyncadd.s32 $0xFFFFD800  }
0x15: {  	s17 =	sadd.s32 $0x0, s10;
	[bflag:$0x0] =	sbarrier.arrive $0xFFFF  }
0x16: {  	[tilespmem:s3], [sflag:$0x2] =	stream.linear.gather [hbm4b:s17+s3], $0x80, $0x38;
	[tilespmem:$0x18100] =	vst v63  }
0x17: {  	_ =	swait.ge [sflag:s12], $0x80  }
0x18: {  	[sflag:s12] =	ssyncset.done $0x0  }
0x19: {  	s31 =	sadd.s32 $0x0, s9;
	[sflag:s12] =	ssyncadd.s32 $0xFFFFFF80  }
0x1a: {  	[tilespmem:s13], [sflag:$0x2] =	stream.linear.gather [hbm4b:s31+s3], $0x80, $0x38;
	[tilespmem:$0x18100] =	vst v63  }
0x1b: {  	_ =	swait.ge [sflag:s12], $0x80  }
0x1c: {  	[sflag:s12] =	ssyncset.done $0x0  }
0x1d: {  	[sflag:s12] =	ssyncadd.s32 $0xFFFFFF80  }
0x1e: {  	[tilespmem:s14], [sflag:$0x1] =	stream.indirect.gather [hbm4b:s4+s13], $0x80, s3, s13, $0xb8;
	[tilespmem:$0x18100] =	vst v63  }
0x1f: {  	_ =	swait.ge [sflag:s15], $0x4000  }
0x20: {  	[sflag:s15] =	ssyncset.done $0x0  }
0x21: {  	[sflag:s15] =	ssyncadd.s32 $0xFFFFC000  }
0x22: {  	[spmem:s2] =	stream.indirect.scatter.add.f32 [tilespmem:s14], [sflag:$0x2], $0x80, s13, s13, $0xb8;
	[tilespmem:$0x18100] =	vst v63  }
0x23: {  	_ =	swait.ge [sflag:s12], $0x4000  }
0x24: {  	s18 =	simm.s32 $0x20;
	s17 =	simm.s32 $0x10;
	[sflag:s12] =	ssyncset.done $0x0  }
.LBB2_2:
0x25: {  	s19 =	sadd.s32 s17, s10  }
0x26: {  	[sflag:s12] =	ssyncadd.s32 $0xFFFFC000;
	s20 =	smov.u32 s18;
	s21 =	sadd.s32 $0x10, s18  }
0x27: {  	[tilespmem:s3], [sflag:$0x2] =	stream.linear.gather [hbm4b:s19+s3], $0x80, $0x38;
	[tilespmem:$0x18100] =	vst v63  }
0x28: {  	p0 =	sne.s32 s18, $0x4F0;
	_ =	swait.ge [sflag:s12], $0x80  }
0x29: {  	[sflag:s12] =	ssyncset.done $0x0  }
0x2a: {  	s18 =	sadd.s32 s17, s9;
	s17 =	smov.u32 s20;
	[sflag:s12] =	ssyncadd.s32 $0xFFFFFF80  }
0x2b: {  	[tilespmem:s13], [sflag:$0x2] =	stream.linear.gather [hbm4b:s18+s3], $0x80, $0x38;
	[tilespmem:$0x18100] =	vst v63  }
0x2c: {  	_ =	swait.ge [sflag:s12], $0x80  }
0x2d: {  	[sflag:s12] =	ssyncset.done $0x0  }
0x2e: {  	[sflag:s12] =	ssyncadd.s32 $0xFFFFFF80  }
0x2f: {  	[tilespmem:s14], [sflag:$0x1] =	stream.indirect.gather [hbm4b:s4+s13], $0x80, s3, s13, $0xb8;
	[tilespmem:$0x18100] =	vst v63  }
0x30: {  	_ =	swait.ge [sflag:s15], $0x4000  }
.Ltmp0:
0x31: {  	[sflag:s15] =	ssyncset.done $0x0;
	(pc) =	sbr.rel @p0 .LBB2_2-.Ltmp0, $4  }
0x32: {  	[sflag:s15] =	ssyncadd.s32 $0xFFFFC000  }
0x33: {  	[spmem:s2] =	stream.indirect.scatter.add.f32 [tilespmem:s14], [sflag:$0x2], $0x80, s13, s13, $0xb8;
	[tilespmem:$0x18100] =	vst v63  }
0x34: {  	_ =	swait.ge [sflag:s12], $0x4000  }
0x35: {  	s18 =	smov.u32 s21;
	[sflag:s12] =	ssyncset.done $0x0  }
0x36: {  	s18 =	sadd.s32 s17, s10;
	[sflag:s12] =	ssyncadd.s32 $0xFFFFC000  }
0x37: {  	[tilespmem:s3], [sflag:$0x2] =	stream.linear.gather [hbm4b:s18+s3], $0x80, $0x38;
	[tilespmem:$0x18100] =	vst v63  }
0x38: {  	_ =	swait.ge [sflag:s12], $0x80  }
0x39: {  	[sflag:s12] =	ssyncset.done $0x0  }
0x3a: {  	s31 =	sadd.s32 s17, s9;
	[sflag:s12] =	ssyncadd.s32 $0xFFFFFF80  }
0x3b: {  	[tilespmem:s13], [sflag:$0x2] =	stream.linear.gather [hbm4b:s31+s3], $0x80, $0x38;
	[tilespmem:$0x18100] =	vst v63  }
0x3c: {  	_ =	swait.ge [sflag:s12], $0x80  }
0x3d: {  	[sflag:s12] =	ssyncset.done $0x0  }
0x3e: {  	[sflag:s12] =	ssyncadd.s32 $0xFFFFFF80  }
0x3f: {  	[tilespmem:s14], [sflag:$0x1] =	stream.indirect.gather [hbm4b:s4+s13], $0x80, s3, s13, $0xb8;
	[tilespmem:$0x18100] =	vst v63  }
0x40: {  	_ =	swait.ge [sflag:s15], $0x4000  }
0x41: {  	[sflag:s15] =	ssyncset.done $0x0  }
0x42: {  	[sflag:s15] =	ssyncadd.s32 $0xFFFFC000  }
0x43: {  	[spmem:s2] =	stream.indirect.scatter.add.f32 [tilespmem:s14], [sflag:$0x2], $0x80, s13, s13, $0xb8;
	[tilespmem:$0x18100] =	vst v63  }
0x44: {  	_ =	swait.ge [sflag:s12], $0x4000  }
0x45: {  	s16 =	sadd.s32 $0x1, s16;
	[sflag:s12] =	ssyncset.done $0x0  }
0x46: {  	p0 =	sne.s32 s16, s8;
	[sflag:s12] =	ssyncadd.s32 $0xFFFFC000  }
.Ltmp1:
0x47: {  	[bflag:$0x0] =	sbarrier.arrive $0xFFFF;
	(pc) =	sbr.rel @p0 .LBB2_1-.Ltmp1, $4  }
0x48: {  	[hbm:s7], [sflag:s6] =	dma.local [spmem:s11], $0x2800  }
0x49: {  	_ =	swait.ge [sflag:s12], $0x2800  }
0x4a: {  	[sflag:s12] =	ssyncset.done $0x0  }
0x4b: {  	[sflag:s12] =	ssyncadd.s32 $0xFFFFD800  }
0x4c: {  	_ =	sfence.sel $0x180000  }
0x4d: {  	[bflag:$0x0] =	sbarrier.arrive $0xFFFF  }
0x4e: {  	p0 =	sne.s32 s1, $0x0;
	_ =	strace $0x90000047  }
0x4f: {  	s0 =	sadd.s32 @!p0 $0x100000, s0;
	[bflag:$0x2] =	sbarrier.arrive $0xFFFF  }
0x50: {  	[sflag:s0] =	ssyncadd.tile.s32 @!p0 $0x1;
	_ =	shalt  }
.Lfunc_end2:
_tile_overlayer_lowered:
.L_overlay_start_2:
0x51: {  	(tag) =	ssettag $0x2  }
0x52: {  	s0 =	rddreg [dreg:$0x0];
	s2 =	stileid.u32  }
0x53: {  	s1 =	rddreg [dreg:$0x1];
	p0 =	sne.s32 s2, $0x0  }
0x54: {  	s3 =	rddreg [dreg:$0x2];
	[bflag:$0x3] =	sbarrier.arrive $0xFFFF;
	s2 =	simm.s32 @!p0 $0x1C02  }
0x55: {  	[timem:s3], [sflag:s2] =	dma.local @!p0 [hbm:s0], s1  }
0x56: {  	s0 =	simm.s32 @!p0 $0x2  }
0x57: {  	_ =	swait.ge @!p0 [sflag:s0], s1  }
0x58: {  	s1 =	ssub.s32 @!p0 $0x0, s1;
	[sflag:s0] =	ssyncset.done @!p0 $0x0  }
0x59: {  	[sflag:s0] =	ssyncadd.s32 @!p0 s1  }
0x5a: {  	[bflag:$0x3] =	sbarrier.arrive $0xFFFF  }
0x5b: {  	_ =	shalt  }

// kernel: kernel.14.cloned.1.call-start
scs
__scs_entry_jumppad:
0x0: {  	(pc) =	sbr.rel $0x88, $3  }
0x1: {  	(tag) =	ssettag $0x0;
	lr =	simm.s32 $0x1  }
0x2: {  	[smem:$0x3F97] =	sst lr;
	_ =	strace $0xD0000000  }
0x3: {  	_ = 	snop  }
0x4: {  	_ = 	snop  }
0x5: {  	_ = 	snop  }
0x6: {  	_ = 	snop  }
0x7: {  	_ = 	snop  }
__scs_overlays_trampoline_lowered:
0x8: {  	[smem:$0x3FA6] =	sst s0  }
0x9: {  	[smem:$0x3FA7] =	sst s1  }
0xa: {  	[smem:$0x3FA8] =	sst s2  }
0xb: {  	[smem:$0x3FA9] =	sst s3  }
0xc: {  	[smem:$0x3FAA] =	sst s4  }
0xd: {  	[smem:$0x3FAB] =	sst s5  }
0xe: {  	[smem:$0x3FAC] =	sst s6  }
0xf: {  	[smem:$0x3FAD] =	sst s7  }
0x10: {  	[smem:$0x3FAE] =	sst s8  }
0x11: {  	[smem:$0x3FAF] =	sst s9;
	s0 =	simm.s32 @!p0 $0x0  }
0x12: {  	s1 =	sld [smem:$0x3F95];
	s0 =	simm.s32 @p0 $0x1  }
0x13: {  	[smem:$0x3FB0] =	sst s0;
	s0 =	simm.s32 @!p1 $0x0  }
0x14: {  	s2 =	sld [smem:$0x3F94];
	s0 =	simm.s32 @p1 $0x1  }
0x15: {  	[smem:$0x3FB1] =	sst s0;
	s0 =	simm.s32 @!p2 $0x0  }
0x16: {  	s3 =	sld [smem:$0x3FDB];
	s0 =	simm.s32 @p2 $0x1  }
0x17: {  	s4 =	simm.s32 $0x1BF5;
	[smem:$0x3FB3] =	sst s0  }
0x18: {  	s0 =	sld [smem:$0x3F96];
	_ =	swait.ge [sflag:s4], $0x0  }
0x19: {  	s7 =	sld [smem:$0x3F97]  }
0x1a: {  	s8 =	sadd.s32 $0xFFFFE003, lr  }
0x1b: {  	s9 =	sadd.s32 $0xFFFFFEF7, lr;
	s5 =	simm.s32 $0xFFFFFFFF;
	p2 =	slt.u32 s8, $0xFFFFF086  }
0x1c: {  	p1 =	slt.u32 s9, $0xF7A;
	s5 =	simm.s32 @!p2 $0x0  }
0x1d: {  	s5 =	simm.s32 @p1 $0x1;
	p0 =	seq.s32 s7, s2  }
0x1e: {  	s7 =	smul.u32 @!p0 $0xF7A, s2;
	p2 =	seq.s32 @!p0 s5, $0x0  }
0x1f: {  	s9 =	smul.u32 $0xF7A, s1;
	s8 =	simm.s32 @!p0 $0x1BF5;
	p2 =	por !p2, p0  }
0x20: {  	[sflag:s8] =	ssyncset.s32 @!p0 $0xFFFFF086;
	s6 =	sadd.s32 @!p0 s3, s7;
	s7 =	simm.s32 @!p0 $0x108  }
0x21: {  	s3 =	sadd.s32 s3, s9;
	s6 =	sadd.s32 @!p0 $0x88, s6;
	s7 =	simm.s32 @p2 $0x1082  }
0x22: {  	[simem:s7], [sflag:s8] =	dma.local @!p0 [hbm:s6], $0xF7A  }
0x23: {  	s9 =	sor.u32 $0xD0000000, s2;
	s6 =	simm.s32 $0x108;
	_ =	swait.ge @!p0 [sflag:s8], $0x0  }
0x24: {  	s3 =	sadd.s32 $0x88, s3;
	s6 =	simm.s32 @!p1 $0x1082;
	[sflag:s4] =	ssyncset.s32 $0xFFFFF086  }
0x25: {  	[simem:s6], [sflag:s4] =	dma.local [hbm:s3], $0xF7A  }
0x26: {  	[smem:$0x3F97] =	sst s1;
	(tag) =	ssettag s2;
	_ =	strace s9  }
0x27: {  	s1 =	sld [smem:$0x3FA7]  }
0x28: {  	s2 =	sld [smem:$0x3FA8]  }
0x29: {  	s4 =	sld [smem:$0x3FAA]  }
0x2a: {  	p0 =	seq.s32 s5, $0x0;
	s5 =	sld [smem:$0x3FAB]  }
0x2b: {  	s6 =	sld [smem:$0x3FAC]  }
0x2c: {  	s7 =	sld [smem:$0x3FAD]  }
0x2d: {  	s3 =	simm.s32 $0x108;
	s8 =	sld [smem:$0x3FAE]  }
0x2e: {  	s3 =	simm.s32 @!p0 $0x1082;
	s9 =	sld [smem:$0x3FAF]  }
0x2f: {  	lr =	sadd.s32 s0, s3;
	s0 =	sld [smem:$0x3FA6]  }
0x30: {  	s3 =	sld [smem:$0x3FA9]  }
0x31: {  	[smem:$0x3FB2] =	sst s10  }
0x32: {  	s10 =	sld [smem:$0x3FB0];
	_ =	sdelay $0x3  }
0x33: {  	p0 =	seq.s32 s10, $0x1;
	s10 =	sld [smem:$0x3FB2];
	_ =	sdelay $0x3  }
0x34: {  	[smem:$0x3FB2] =	sst s10  }
0x35: {  	s10 =	sld [smem:$0x3FB1];
	_ =	sdelay $0x3  }
0x36: {  	p1 =	seq.s32 s10, $0x1;
	s10 =	sld [smem:$0x3FB2];
	_ =	sdelay $0x3  }
0x37: {  	[smem:$0x3FB2] =	sst s10  }
0x38: {  	s10 =	sld [smem:$0x3FB3]  }
0x39: {  	_ = 	snop;
	(pc) =	sbr.ind lr, $3  }
0x3a: {  	_ = 	snop  }
0x3b: {  	_ = 	snop  }
0x3c: {  	p2 =	seq.s32 s10, $0x1;
	s10 =	sld [smem:$0x3FB2]  }
0x3d: {  	_ =	shalt  }
0x3e: {  	_ =	shalt  }
0x3f: {  	_ =	shalt  }
0x40: {  	_ =	shalt  }
0x41: {  	_ =	shalt  }
0x42: {  	_ =	shalt  }
0x43: {  	_ =	shalt  }
0x44: {  	_ =	shalt  }
0x45: {  	_ =	shalt  }
0x46: {  	_ =	shalt  }
0x47: {  	_ =	shalt  }
0x48: {  	_ =	shalt  }
0x49: {  	_ =	shalt  }
0x4a: {  	_ =	shalt  }
0x4b: {  	_ =	shalt  }
0x4c: {  	_ =	shalt  }
0x4d: {  	_ =	shalt  }
0x4e: {  	_ =	shalt  }
0x4f: {  	_ =	shalt  }
0x50: {  	_ =	shalt  }
0x51: {  	_ =	shalt  }
0x52: {  	_ =	shalt  }
0x53: {  	_ =	shalt  }
0x54: {  	_ =	shalt  }
0x55: {  	_ =	shalt  }
0x56: {  	_ =	shalt  }
0x57: {  	_ =	shalt  }
0x58: {  	_ =	shalt  }
0x59: {  	_ =	shalt  }
0x5a: {  	_ =	shalt  }
0x5b: {  	_ =	shalt  }
0x5c: {  	_ =	shalt  }
0x5d: {  	_ =	shalt  }
0x5e: {  	_ =	shalt  }
0x5f: {  	_ =	shalt  }
0x60: {  	_ =	shalt  }
0x61: {  	_ =	shalt  }
0x62: {  	_ =	shalt  }
0x63: {  	_ =	shalt  }
0x64: {  	_ =	shalt  }
0x65: {  	_ =	shalt  }
0x66: {  	_ =	shalt  }
0x67: {  	_ =	shalt  }
0x68: {  	_ =	shalt  }
0x69: {  	_ =	shalt  }
0x6a: {  	_ =	shalt  }
0x6b: {  	_ =	shalt  }
0x6c: {  	_ =	shalt  }
0x6d: {  	_ =	shalt  }
0x6e: {  	_ =	shalt  }
0x6f: {  	_ =	shalt  }
0x70: {  	_ =	shalt  }
0x71: {  	_ =	shalt  }
0x72: {  	_ =	shalt  }
0x73: {  	_ =	shalt  }
0x74: {  	_ =	shalt  }
0x75: {  	_ =	shalt  }
0x76: {  	_ =	shalt  }
0x77: {  	_ =	shalt  }
0x78: {  	_ =	shalt  }
0x79: {  	_ =	shalt  }
0x7a: {  	_ =	shalt  }
0x7b: {  	_ =	shalt  }
0x7c: {  	_ =	shalt  }
0x7d: {  	_ =	shalt  }
0x7e: {  	_ =	shalt  }
0x7f: {  	_ =	shalt  }
0x80: {  	_ =	shalt  }
0x81: {  	_ =	shalt  }
0x82: {  	_ =	shalt  }
0x83: {  	_ =	shalt  }
0x84: {  	_ =	shalt  }
0x85: {  	_ =	shalt  }
0x86: {  	_ =	shalt  }
0x87: {  	_ =	shalt  }
.Lfunc_end0:
.L_simem_size_0:
called_computation.2_lowered:
.L_overlay_start_0:
0x88: {  	s2 =	sld [smem:$0x3FD9]  }
0x89: {  	s3 =	sld [smem:$0x3FFE];
	_ =	sdelay $0x1  }
0x8a: {  	s1 =	srdreg.scid  }
0x8b: {  	s0 =	sand.u32 $0x1, s1  }
0x8c: {  	s17 =	sshll.u32 s0, $0xA;
	s2 =	sadd.s32 s3, s2  }
0x8d: {  	s2 =	sadd.s32 s2, s17  }
0x8e: {  	[smem:$0x3FBE] =	sst s2  }
0x8f: {  	_ = 	snop  }
0x90: {  	s2 =	sld [smem:$0x3FD0];
	(tm) =	ssettm $0x1  }
0x91: {  	s18 =	sld [smem:$0x3FFB];
	_ =	sdelay $0x3  }
0x92: {  	_ =	strace s18  }
0x93: {  	s3 =	sld [smem:$0x3FFC];
	_ =	sdelay $0x3  }
0x94: {  	_ =	strace s3  }
0x95: {  	s3 =	sld [smem:$0x3FFD];
	_ =	sdelay $0x3  }
0x96: {  	_ =	strace s3  }
0x97: {  	_ =	strace $0x8FFFFFFF  }
0x98: {  	s19 =	sld [smem:$0x3FDB];
	_ =	sdelay $0x1  }
0x99: {  	s4 =	simm.s32 $_scs_section_size  }
0x9a: {  	s5 =	simm.s32 $_size__tile_overlayer_lowered;
	s6 =	simm.s32 $_tile_overlayer_lowered  }
0x9b: {  	s22 =	simm.s32 $0x1BFF;
	s21 =	sshll.u32 s6, $0x1;
	s3 =	sadd.s32 s4, s19  }
0x9c: {  	s7 =	simm.s32 $0x0;
	s20 =	sshll.u32 s5, $0x1;
	s5 =	sadd.s32 s21, s3  }
0x9d: {  	[timem:s7], [sflag:s22] =	dma.local [hbm:s5], s20  }
0x9e: {  	_ =	swait.ge [sflag:s22], s20  }
0x9f: {  	s4 =	ssub.s32 $0x0, s20;
	[sflag:s22] =	ssyncset.done $0x0  }
0xa0: {  	[sflag:s22] =	ssyncadd.s32 s4;
	_ =	sdelay $0x1  }
0xa1: {  	s23 =	simm.s32 $0x1B8B  }
0xa2: {  	_ =	swait.ge [sflag:s23], $0x1  }
0xa3: {  	[sflag:s23] =	ssyncset.done $0x0  }
0xa4: {  	s25 =	simm.s32 $0x1B8E;
	s24 =	sld [smem:$0x3FFE];
	[sflag:s23] =	ssyncadd.s32 $0xFFFFFFFF  }
0xa5: {  	s26 =	simm.s32 $execute0_lowered;
	[smem:$0x3FD2] =	sst s25  }
0xa6: {  	s5 =	sshll.u32 s26, $0x1;
	_ =	strace $0x8000004C;
	[dreg:$0x1] =	wrdreg $0xFFFFFFFF  }
0xa7: {  	s28 =	simm.s32 $_size_execute0_lowered;
	s3 =	sadd.s32 s3, s5;
	[dreg:$0x0] =	wrdreg $0x0  }
0xa8: {  	s5 =	sshll.u32 s28, $0x1;
	[dreg:$0x2] =	wrdreg s3  }
0xa9: {  	[dreg:$0x3] =	wrdreg s5  }
0xaa: {  	[dreg:$0x4] =	wrdreg $0xC0  }
0xab: {  	_ =	task [dreg:s7], $0x5FFFF  }
0xac: {  	[dreg:$0x1] =	wrdreg $0xFFFFFFFF  }
0xad: {  	[dreg:$0x0] =	wrdreg $0x60  }
0xae: {  	[dreg:$0x2] =	wrdreg s24  }
0xaf: {  	[dreg:$0x3] =	wrdreg s2  }
0xb0: {  	[dreg:$0x4] =	wrdreg $0x41000  }
0xb1: {  	[dreg:$0x5] =	wrdreg $0x9  }
0xb2: {  	_ =	task.clear_ibuf [dreg:s7], $0x6FFFF;
	_ =	strace $0x9000004C  }
0xb3: {  	s29 =	simm.s32 $0x9;
	_ =	strace $0x8000004E  }
0xb4: {  	_ =	swait.ge [sflag:s29], $0x1  }
0xb5: {  	[sflag:s29] =	ssyncadd.s32 $0xFFFFFFFF  }
0xb6: {  	_ =	strace $0x9000004E  }
0xb7: {  	_ =	sfence  }
0xb8: {  	s30 =	sld [smem:$0x0];
	_ =	sdelay $0x2  }
0xb9: {  	s31 =	sshll.u32 s1, $0xD;
	s1 =	sshrl.u32 s1, $0x2  }
0xba: {  	s3 =	sand.u32 $0x4000, s31;
	s1 =	sadd.s32 s1, s30  }
0xbb: {  	s0 =	sor.u32 s3, s0;
	s1 =	sshll.u32 s1, $0x11  }
0xbc: {  	s0 =	sor.u32 s1, s0  }
0xbd: {  	s0 =	sadd.s32 $0x8F2B, s0  }
0xbe: {  	[sflag:s0] =	ssyncadd.remote.s32 $0x1  }
0xbf: {  	_ =	sfence.sel $0xFFFF  }
0xc0: {  	[dreg:$0x0] =	wrdreg $0xFFFFFFFF;
	(pc) =	sbr.abs _section_cstart, $3  }
0xc1: {  	[dreg:$0x1] =	wrdreg $0xFFFFFFFF  }
0xc2: {  	_ =	task.clear_ibuf [dreg:s7], $0x2FFFF;
	_ =	strace $0x9FFFFFFF  }
0xc3: {  	(tm) =	ssettm $0x7FFFFFFF  }
tec
execute0_lowered:
.L_overlay_start_1:
0x0: {  	(tag) =	ssettag $0x1  }
0x1: {  	s5 =	rddreg [dreg:$0x0]  }
0x2: {  	s8 =	rddreg [dreg:$0x1]  }
0x3: {  	s0 =	srdreg.scid;
	s1 =	stileid.u32  }
0x4: {  	s2 =	rddreg [dreg:$0x2];
	s7 =	smul.u32 $0x14000, s1  }
0x5: {  	s3 =	simm.s32 $0x0;
	s15 =	simm.s32 $0x1;
	s13 =	smul.u32 $0x50000, s1  }
0x6: {  	s6 =	sand.u32 $0x1, s0;
	s0 =	rddreg [dreg:$0x3];
	s30 =	smul.u32 $0x510, s1  }
0x7: {  	s16 =	simm.s32 $0x0;
	[smem:$0x7FF] =	sst s3;
	s9 =	smul.u32 $0x5100, s6  }
0x8: {  	s4 =	sadd.s32 $0xCE00, s5;
	s29 =	sshll.u32 s1, $0x6;
	s10 =	smul.u32 $0x140000, s6  }
0x9: {  	_ =	strace $0x8000004D;
	s6 =	ssub.s32 $0x2, s6;
	s12 =	sshrl.u32 s7, $0x3  }
0xa: {  	s26 =	sshrl.u32 s6, $0x1;
	s28 =	sshrl.u32 s13, $0x2;
	s13 =	simm.s32 $0x80  }
0xb: {  	s11 =	sadd.s32 s9, s5;
	s7 =	sadd.s32 s7, s10;
	s12 =	sadd.s32 s12, s5  }
0xc: {  	s10 =	ssub.s32 s6, s26;
	s14 =	sadd.s32 s28, s2;
	s6 =	sor.u32 $0x1C02, s29  }
0xd: {  	s31 =	sadd.s32 s9, s8;
	s7 =	sshrl.u32 s7, $0x3;
	s11 =	sadd.s32 s30, s11  }
0xe: {  	s8 =	smax.u32 s10, $0x1;
	s10 =	sadd.s32 s30, s31;
	s7 =	sadd.s32 s7, s5  }
0xf: {  	s5 =	sadd.s32 $0x5CE00, s12;
	s9 =	sadd.s32 $0x2C00, s11;
	s11 =	sshrl.u32 s14, $0x3  }
0x10: {  	s12 =	simm.s32 $0x2;
	s14 =	simm.s32 $0x100;
	s7 =	sadd.s32 $0x84E00, s7  }
.LBB2_1:
0x11: {  	[spmem:s11], [sflag:s6] =	dma.local [hbm:s5], $0x2800  }
0x12: {  	_ =	swait.ge [sflag:s12], $0x2800  }
0x13: {  	[sflag:s12] =	ssyncset.done $0x0  }
0x14: {  	[sflag:s12] =	ssyncadd.s32 $0xFFFFD800  }
0x15: {  	s17 =	sadd.s32 $0x0, s10;
	[bflag:$0x0] =	sbarrier.arrive $0xFFFF  }
0x16: {  	[tilespmem:s3], [sflag:$0x2] =	stream.linear.gather [hbm4b:s17+s3], $0x80, $0x38;
	[tilespmem:$0x18100] =	vst v63  }
0x17: {  	_ =	swait.ge [sflag:s12], $0x80  }
0x18: {  	[sflag:s12] =	ssyncset.done $0x0  }
0x19: {  	s31 =	sadd.s32 $0x0, s9;
	[sflag:s12] =	ssyncadd.s32 $0xFFFFFF80  }
0x1a: {  	[tilespmem:s13], [sflag:$0x2] =	stream.linear.gather [hbm4b:s31+s3], $0x80, $0x38;
	[tilespmem:$0x18100] =	vst v63  }
0x1b: {  	_ =	swait.ge [sflag:s12], $0x80  }
0x1c: {  	[sflag:s12] =	ssyncset.done $0x0  }
0x1d: {  	[sflag:s12] =	ssyncadd.s32 $0xFFFFFF80  }
0x1e: {  	[tilespmem:s14], [sflag:$0x1] =	stream.indirect.gather [hbm4b:s4+s13], $0x80, s3, s13, $0xb8;
	[tilespmem:$0x18100] =	vst v63  }
0x1f: {  	_ =	swait.ge [sflag:s15], $0x4000  }
0x20: {  	[sflag:s15] =	ssyncset.done $0x0  }
0x21: {  	[sflag:s15] =	ssyncadd.s32 $0xFFFFC000  }
0x22: {  	[spmem:s2] =	stream.indirect.scatter.add.f32 [tilespmem:s14], [sflag:$0x2], $0x80, s13, s13, $0xb8;
	[tilespmem:$0x18100] =	vst v63  }
0x23: {  	_ =	swait.ge [sflag:s12], $0x4000  }
0x24: {  	s18 =	simm.s32 $0x20;
	s17 =	simm.s32 $0x10;
	[sflag:s12] =	ssyncset.done $0x0  }
.LBB2_2:
0x25: {  	s19 =	sadd.s32 s17, s10  }
0x26: {  	[sflag:s12] =	ssyncadd.s32 $0xFFFFC000;
	s20 =	smov.u32 s18;
	s21 =	sadd.s32 $0x10, s18  }
0x27: {  	[tilespmem:s3], [sflag:$0x2] =	stream.linear.gather [hbm4b:s19+s3], $0x80, $0x38;
	[tilespmem:$0x18100] =	vst v63  }
0x28: {  	p0 =	sne.s32 s18, $0x4F0;
	_ =	swait.ge [sflag:s12], $0x80  }
0x29: {  	[sflag:s12] =	ssyncset.done $0x0  }
0x2a: {  	s18 =	sadd.s32 s17, s9;
	s17 =	smov.u32 s20;
	[sflag:s12] =	ssyncadd.s32 $0xFFFFFF80  }
0x2b: {  	[tilespmem:s13], [sflag:$0x2] =	stream.linear.gather [hbm4b:s18+s3], $0x80, $0x38;
	[tilespmem:$0x18100] =	vst v63  }
0x2c: {  	_ =	swait.ge [sflag:s12], $0x80  }
0x2d: {  	[sflag:s12] =	ssyncset.done $0x0  }
0x2e: {  	[sflag:s12] =	ssyncadd.s32 $0xFFFFFF80  }
0x2f: {  	[tilespmem:s14], [sflag:$0x1] =	stream.indirect.gather [hbm4b:s4+s13], $0x80, s3, s13, $0xb8;
	[tilespmem:$0x18100] =	vst v63  }
0x30: {  	_ =	swait.ge [sflag:s15], $0x4000  }
.Ltmp0:
0x31: {  	[sflag:s15] =	ssyncset.done $0x0;
	(pc) =	sbr.rel @p0 .LBB2_2-.Ltmp0, $4  }
0x32: {  	[sflag:s15] =	ssyncadd.s32 $0xFFFFC000  }
0x33: {  	[spmem:s2] =	stream.indirect.scatter.add.f32 [tilespmem:s14], [sflag:$0x2], $0x80, s13, s13, $0xb8;
	[tilespmem:$0x18100] =	vst v63  }
0x34: {  	_ =	swait.ge [sflag:s12], $0x4000  }
0x35: {  	s18 =	smov.u32 s21;
	[sflag:s12] =	ssyncset.done $0x0  }
0x36: {  	s18 =	sadd.s32 s17, s10;
	[sflag:s12] =	ssyncadd.s32 $0xFFFFC000  }
0x37: {  	[tilespmem:s3], [sflag:$0x2] =	stream.linear.gather [hbm4b:s18+s3], $0x80, $0x38;
	[tilespmem:$0x18100] =	vst v63  }
0x38: {  	_ =	swait.ge [sflag:s12], $0x80  }
0x39: {  	[sflag:s12] =	ssyncset.done $0x0  }
0x3a: {  	s31 =	sadd.s32 s17, s9;
	[sflag:s12] =	ssyncadd.s32 $0xFFFFFF80  }
0x3b: {  	[tilespmem:s13], [sflag:$0x2] =	stream.linear.gather [hbm4b:s31+s3], $0x80, $0x38;
	[tilespmem:$0x18100] =	vst v63  }
0x3c: {  	_ =	swait.ge [sflag:s12], $0x80  }
0x3d: {  	[sflag:s12] =	ssyncset.done $0x0  }
0x3e: {  	[sflag:s12] =	ssyncadd.s32 $0xFFFFFF80  }
0x3f: {  	[tilespmem:s14], [sflag:$0x1] =	stream.indirect.gather [hbm4b:s4+s13], $0x80, s3, s13, $0xb8;
	[tilespmem:$0x18100] =	vst v63  }
0x40: {  	_ =	swait.ge [sflag:s15], $0x4000  }
0x41: {  	[sflag:s15] =	ssyncset.done $0x0  }
0x42: {  	[sflag:s15] =	ssyncadd.s32 $0xFFFFC000  }
0x43: {  	[spmem:s2] =	stream.indirect.scatter.add.f32 [tilespmem:s14], [sflag:$0x2], $0x80, s13, s13, $0xb8;
	[tilespmem:$0x18100] =	vst v63  }
0x44: {  	_ =	swait.ge [sflag:s12], $0x4000  }
0x45: {  	s16 =	sadd.s32 $0x1, s16;
	[sflag:s12] =	ssyncset.done $0x0  }
0x46: {  	p0 =	sne.s32 s16, s8;
	[sflag:s12] =	ssyncadd.s32 $0xFFFFC000  }
.Ltmp1:
0x47: {  	[bflag:$0x0] =	sbarrier.arrive $0xFFFF;
	(pc) =	sbr.rel @p0 .LBB2_1-.Ltmp1, $4  }
0x48: {  	[hbm:s7], [sflag:s6] =	dma.local [spmem:s11], $0x2800  }
0x49: {  	_ =	swait.ge [sflag:s12], $0x2800  }
0x4a: {  	[sflag:s12] =	ssyncset.done $0x0  }
0x4b: {  	[sflag:s12] =	ssyncadd.s32 $0xFFFFD800  }
0x4c: {  	_ =	sfence.sel $0x180000  }
0x4d: {  	[bflag:$0x0] =	sbarrier.arrive $0xFFFF  }
0x4e: {  	p0 =	sne.s32 s1, $0x0;
	_ =	strace $0x9000004D  }
0x4f: {  	s0 =	sadd.s32 @!p0 $0x100000, s0;
	[bflag:$0x2] =	sbarrier.arrive $0xFFFF  }
0x50: {  	[sflag:s0] =	ssyncadd.tile.s32 @!p0 $0x1;
	_ =	shalt  }
.Lfunc_end2:
_tile_overlayer_lowered:
.L_overlay_start_2:
0x51: {  	(tag) =	ssettag $0x2  }
0x52: {  	s0 =	rddreg [dreg:$0x0];
	s2 =	stileid.u32  }
0x53: {  	s1 =	rddreg [dreg:$0x1];
	p0 =	sne.s32 s2, $0x0  }
0x54: {  	s3 =	rddreg [dreg:$0x2];
	[bflag:$0x3] =	sbarrier.arrive $0xFFFF;
	s2 =	simm.s32 @!p0 $0x1C02  }
0x55: {  	[timem:s3], [sflag:s2] =	dma.local @!p0 [hbm:s0], s1  }
0x56: {  	s0 =	simm.s32 @!p0 $0x2  }
0x57: {  	_ =	swait.ge @!p0 [sflag:s0], s1  }
0x58: {  	s1 =	ssub.s32 @!p0 $0x0, s1;
	[sflag:s0] =	ssyncset.done @!p0 $0x0  }
0x59: {  	[sflag:s0] =	ssyncadd.s32 @!p0 s1  }
0x5a: {  	[bflag:$0x3] =	sbarrier.arrive $0xFFFF  }
0x5b: {  	_ =	shalt  }

// kernel: kernel.8.cloned.1.call-start
scs
__scs_entry_jumppad:
0x0: {  	(pc) =	sbr.rel $0x88, $3  }
0x1: {  	(tag) =	ssettag $0x0;
	lr =	simm.s32 $0x1  }
0x2: {  	[smem:$0x3F97] =	sst lr;
	_ =	strace $0xD0000000  }
0x3: {  	_ = 	snop  }
0x4: {  	_ = 	snop  }
0x5: {  	_ = 	snop  }
0x6: {  	_ = 	snop  }
0x7: {  	_ = 	snop  }
__scs_overlays_trampoline_lowered:
0x8: {  	[smem:$0x3FA6] =	sst s0  }
0x9: {  	[smem:$0x3FA7] =	sst s1  }
0xa: {  	[smem:$0x3FA8] =	sst s2  }
0xb: {  	[smem:$0x3FA9] =	sst s3  }
0xc: {  	[smem:$0x3FAA] =	sst s4  }
0xd: {  	[smem:$0x3FAB] =	sst s5  }
0xe: {  	[smem:$0x3FAC] =	sst s6  }
0xf: {  	[smem:$0x3FAD] =	sst s7  }
0x10: {  	[smem:$0x3FAE] =	sst s8  }
0x11: {  	[smem:$0x3FAF] =	sst s9;
	s0 =	simm.s32 @!p0 $0x0  }
0x12: {  	s1 =	sld [smem:$0x3F95];
	s0 =	simm.s32 @p0 $0x1  }
0x13: {  	[smem:$0x3FB0] =	sst s0;
	s0 =	simm.s32 @!p1 $0x0  }
0x14: {  	s2 =	sld [smem:$0x3F94];
	s0 =	simm.s32 @p1 $0x1  }
0x15: {  	[smem:$0x3FB1] =	sst s0;
	s0 =	simm.s32 @!p2 $0x0  }
0x16: {  	s3 =	sld [smem:$0x3FDB];
	s0 =	simm.s32 @p2 $0x1  }
0x17: {  	s4 =	simm.s32 $0x1BF5;
	[smem:$0x3FB3] =	sst s0  }
0x18: {  	s0 =	sld [smem:$0x3F96];
	_ =	swait.ge [sflag:s4], $0x0  }
0x19: {  	s7 =	sld [smem:$0x3F97]  }
0x1a: {  	s8 =	sadd.s32 $0xFFFFE003, lr  }
0x1b: {  	s9 =	sadd.s32 $0xFFFFFEF7, lr;
	s5 =	simm.s32 $0xFFFFFFFF;
	p2 =	slt.u32 s8, $0xFFFFF086  }
0x1c: {  	p1 =	slt.u32 s9, $0xF7A;
	s5 =	simm.s32 @!p2 $0x0  }
0x1d: {  	s5 =	simm.s32 @p1 $0x1;
	p0 =	seq.s32 s7, s2  }
0x1e: {  	s7 =	smul.u32 @!p0 $0xF7A, s2;
	p2 =	seq.s32 @!p0 s5, $0x0  }
0x1f: {  	s9 =	smul.u32 $0xF7A, s1;
	s8 =	simm.s32 @!p0 $0x1BF5;
	p2 =	por !p2, p0  }
0x20: {  	[sflag:s8] =	ssyncset.s32 @!p0 $0xFFFFF086;
	s6 =	sadd.s32 @!p0 s3, s7;
	s7 =	simm.s32 @!p0 $0x108  }
0x21: {  	s3 =	sadd.s32 s3, s9;
	s6 =	sadd.s32 @!p0 $0x88, s6;
	s7 =	simm.s32 @p2 $0x1082  }
0x22: {  	[simem:s7], [sflag:s8] =	dma.local @!p0 [hbm:s6], $0xF7A  }
0x23: {  	s9 =	sor.u32 $0xD0000000, s2;
	s6 =	simm.s32 $0x108;
	_ =	swait.ge @!p0 [sflag:s8], $0x0  }
0x24: {  	s3 =	sadd.s32 $0x88, s3;
	s6 =	simm.s32 @!p1 $0x1082;
	[sflag:s4] =	ssyncset.s32 $0xFFFFF086  }
0x25: {  	[simem:s6], [sflag:s4] =	dma.local [hbm:s3], $0xF7A  }
0x26: {  	[smem:$0x3F97] =	sst s1;
	(tag) =	ssettag s2;
	_ =	strace s9  }
0x27: {  	s1 =	sld [smem:$0x3FA7]  }
0x28: {  	s2 =	sld [smem:$0x3FA8]  }
0x29: {  	s4 =	sld [smem:$0x3FAA]  }
0x2a: {  	p0 =	seq.s32 s5, $0x0;
	s5 =	sld [smem:$0x3FAB]  }
0x2b: {  	s6 =	sld [smem:$0x3FAC]  }
0x2c: {  	s7 =	sld [smem:$0x3FAD]  }
0x2d: {  	s3 =	simm.s32 $0x108;
	s8 =	sld [smem:$0x3FAE]  }
0x2e: {  	s3 =	simm.s32 @!p0 $0x1082;
	s9 =	sld [smem:$0x3FAF]  }
0x2f: {  	lr =	sadd.s32 s0, s3;
	s0 =	sld [smem:$0x3FA6]  }
0x30: {  	s3 =	sld [smem:$0x3FA9]  }
0x31: {  	[smem:$0x3FB2] =	sst s10  }
0x32: {  	s10 =	sld [smem:$0x3FB0];
	_ =	sdelay $0x3  }
0x33: {  	p0 =	seq.s32 s10, $0x1;
	s10 =	sld [smem:$0x3FB2];
	_ =	sdelay $0x3  }
0x34: {  	[smem:$0x3FB2] =	sst s10  }
0x35: {  	s10 =	sld [smem:$0x3FB1];
	_ =	sdelay $0x3  }
0x36: {  	p1 =	seq.s32 s10, $0x1;
	s10 =	sld [smem:$0x3FB2];
	_ =	sdelay $0x3  }
0x37: {  	[smem:$0x3FB2] =	sst s10  }
0x38: {  	s10 =	sld [smem:$0x3FB3]  }
0x39: {  	_ = 	snop;
	(pc) =	sbr.ind lr, $3  }
0x3a: {  	_ = 	snop  }
0x3b: {  	_ = 	snop  }
0x3c: {  	p2 =	seq.s32 s10, $0x1;
	s10 =	sld [smem:$0x3FB2]  }
0x3d: {  	_ =	shalt  }
0x3e: {  	_ =	shalt  }
0x3f: {  	_ =	shalt  }
0x40: {  	_ =	shalt  }
0x41: {  	_ =	shalt  }
0x42: {  	_ =	shalt  }
0x43: {  	_ =	shalt  }
0x44: {  	_ =	shalt  }
0x45: {  	_ =	shalt  }
0x46: {  	_ =	shalt  }
0x47: {  	_ =	shalt  }
0x48: {  	_ =	shalt  }
0x49: {  	_ =	shalt  }
0x4a: {  	_ =	shalt  }
0x4b: {  	_ =	shalt  }
0x4c: {  	_ =	shalt  }
0x4d: {  	_ =	shalt  }
0x4e: {  	_ =	shalt  }
0x4f: {  	_ =	shalt  }
0x50: {  	_ =	shalt  }
0x51: {  	_ =	shalt  }
0x52: {  	_ =	shalt  }
0x53: {  	_ =	shalt  }
0x54: {  	_ =	shalt  }
0x55: {  	_ =	shalt  }
0x56: {  	_ =	shalt  }
0x57: {  	_ =	shalt  }
0x58: {  	_ =	shalt  }
0x59: {  	_ =	shalt  }
0x5a: {  	_ =	shalt  }
0x5b: {  	_ =	shalt  }
0x5c: {  	_ =	shalt  }
0x5d: {  	_ =	shalt  }
0x5e: {  	_ =	shalt  }
0x5f: {  	_ =	shalt  }
0x60: {  	_ =	shalt  }
0x61: {  	_ =	shalt  }
0x62: {  	_ =	shalt  }
0x63: {  	_ =	shalt  }
0x64: {  	_ =	shalt  }
0x65: {  	_ =	shalt  }
0x66: {  	_ =	shalt  }
0x67: {  	_ =	shalt  }
0x68: {  	_ =	shalt  }
0x69: {  	_ =	shalt  }
0x6a: {  	_ =	shalt  }
0x6b: {  	_ =	shalt  }
0x6c: {  	_ =	shalt  }
0x6d: {  	_ =	shalt  }
0x6e: {  	_ =	shalt  }
0x6f: {  	_ =	shalt  }
0x70: {  	_ =	shalt  }
0x71: {  	_ =	shalt  }
0x72: {  	_ =	shalt  }
0x73: {  	_ =	shalt  }
0x74: {  	_ =	shalt  }
0x75: {  	_ =	shalt  }
0x76: {  	_ =	shalt  }
0x77: {  	_ =	shalt  }
0x78: {  	_ =	shalt  }
0x79: {  	_ =	shalt  }
0x7a: {  	_ =	shalt  }
0x7b: {  	_ =	shalt  }
0x7c: {  	_ =	shalt  }
0x7d: {  	_ =	shalt  }
0x7e: {  	_ =	shalt  }
0x7f: {  	_ =	shalt  }
0x80: {  	_ =	shalt  }
0x81: {  	_ =	shalt  }
0x82: {  	_ =	shalt  }
0x83: {  	_ =	shalt  }
0x84: {  	_ =	shalt  }
0x85: {  	_ =	shalt  }
0x86: {  	_ =	shalt  }
0x87: {  	_ =	shalt  }
.Lfunc_end0:
.L_simem_size_0:
called_computation_lowered:
.L_overlay_start_0:
0x88: {  	s2 =	sld [smem:$0x3FD9]  }
0x89: {  	s3 =	sld [smem:$0x3FFE];
	_ =	sdelay $0x1  }
0x8a: {  	s1 =	srdreg.scid  }
0x8b: {  	s0 =	sand.u32 $0x1, s1  }
0x8c: {  	s17 =	sshll.u32 s0, $0xA;
	s2 =	sadd.s32 s3, s2  }
0x8d: {  	s2 =	sadd.s32 s2, s17  }
0x8e: {  	[smem:$0x3FBE] =	sst s2  }
0x8f: {  	_ = 	snop  }
0x90: {  	(tm) =	ssettm $0x1  }
0x91: {  	s18 =	sld [smem:$0x3FFB];
	_ =	sdelay $0x3  }
0x92: {  	_ =	strace s18  }
0x93: {  	s2 =	sld [smem:$0x3FFC];
	_ =	sdelay $0x3  }
0x94: {  	_ =	strace s2  }
0x95: {  	s2 =	sld [smem:$0x3FFD];
	_ =	sdelay $0x3  }
0x96: {  	_ =	strace s2  }
0x97: {  	_ =	strace $0x8FFFFFFF  }
0x98: {  	s19 =	sld [smem:$0x3FDB];
	_ =	sdelay $0x1  }
0x99: {  	s20 =	simm.s32 $_scs_section_size  }
0x9a: {  	s4 =	simm.s32 $_size__tile_overlayer_lowered;
	s5 =	simm.s32 $_tile_overlayer_lowered  }
0x9b: {  	s6 =	simm.s32 $0x1BFF;
	s21 =	sshll.u32 s5, $0x1;
	s3 =	sadd.s32 s20, s19  }
0x9c: {  	s22 =	simm.s32 $0x0;
	s4 =	sshll.u32 s4, $0x1;
	s5 =	sadd.s32 s21, s3  }
0x9d: {  	[timem:s22], [sflag:s6] =	dma.local [hbm:s5], s4  }
0x9e: {  	_ =	swait.ge [sflag:s6], s4  }
0x9f: {  	s4 =	ssub.s32 $0x0, s4;
	[sflag:s6] =	ssyncset.done $0x0  }
0xa0: {  	[sflag:s6] =	ssyncadd.s32 s4;
	_ =	sdelay $0x1  }
0xa1: {  	s23 =	simm.s32 $0x1B8B  }
0xa2: {  	_ =	swait.ge [sflag:s23], $0x1  }
0xa3: {  	[sflag:s23] =	ssyncset.done $0x0  }
0xa4: {  	[sflag:s23] =	ssyncadd.s32 $0xFFFFFFFF  }
0xa5: {  	s4 =	sld [smem:$0x0]  }
0xa6: {  	s5 =	sand.u32 $0xFFFFFFFE, s1  }
0xa7: {  	p0 =	sne.s32 s1, s5  }
0xa8: {  	s5 =	sshll.u32 @p0 s5, $0xE  }
0xa9: {  	s5 =	sadd.s32 @p0 $0x11B8D, s5;
	s6 =	sshll.u32 @p0 s4, $0x11  }
0xaa: {  	s5 =	sor.u32 @p0 s6, s5  }
0xab: {  	[sflag:s5] =	ssyncadd.remote.s32 @p0 $0x1;
	_ =	sdelay $0x1  }
0xac: {  	s5 =	simm.s32 @p0 $0x1B8D  }
0xad: {  	_ =	swait.eq @p0 [sflag:s5], $0x1  }
0xae: {  	[sflag:s5] =	ssyncadd.s32 @p0 $0xFFFFFFFF  }
0xaf: {  	s6 =	sshll.u32 @!p0 s1, $0xE  }
0xb0: {  	s6 =	sor.u32 @!p0 $0x4000, s6;
	s5 =	simm.s32 @!p0 $0x1B8D  }
0xb1: {  	s4 =	sshll.u32 @!p0 s4, $0x11;
	s6 =	sadd.s32 @!p0 $0x11B8D, s6;
	_ =	swait.eq @!p0 [sflag:s5], $0x1  }
0xb2: {  	s4 =	sor.u32 @!p0 s4, s6;
	[sflag:s5] =	ssyncadd.s32 @!p0 $0xFFFFFFFF  }
0xb3: {  	s25 =	simm.s32 $0x1B8E;
	s24 =	sld [smem:$0x3FFE];
	[sflag:s4] =	ssyncadd.remote.s32 @!p0 $0x1  }
0xb4: {  	s26 =	simm.s32 $execute0_lowered;
	[smem:$0x3FD2] =	sst s25  }
0xb5: {  	s5 =	sshll.u32 s26, $0x1;
	_ =	strace $0x80000049;
	[dreg:$0x1] =	wrdreg $0xFFFFFFFF  }
0xb6: {  	s28 =	simm.s32 $_size_execute0_lowered;
	s3 =	sadd.s32 s3, s5;
	[dreg:$0x0] =	wrdreg $0x0  }
0xb7: {  	s5 =	sshll.u32 s28, $0x1;
	[dreg:$0x2] =	wrdreg s3  }
0xb8: {  	[dreg:$0x3] =	wrdreg s5  }
0xb9: {  	[dreg:$0x4] =	wrdreg $0xC0  }
0xba: {  	_ =	task [dreg:s22], $0x5FFFF  }
0xbb: {  	[dreg:$0x1] =	wrdreg $0xFFFFFFFF  }
0xbc: {  	[dreg:$0x0] =	wrdreg $0x60  }
0xbd: {  	[dreg:$0x2] =	wrdreg s24  }
0xbe: {  	[dreg:$0x3] =	wrdreg $0x9  }
0xbf: {  	_ =	task.clear_ibuf [dreg:s22], $0x4FFFF;
	_ =	strace $0x90000049  }
0xc0: {  	s29 =	simm.s32 $0x9;
	_ =	strace $0x8000004B  }
0xc1: {  	_ =	swait.ge [sflag:s29], $0x1  }
0xc2: {  	[sflag:s29] =	ssyncadd.s32 $0xFFFFFFFF  }
0xc3: {  	_ =	strace $0x9000004B  }
0xc4: {  	_ =	sfence  }
0xc5: {  	s30 =	sld [smem:$0x0];
	_ =	sdelay $0x2  }
0xc6: {  	s31 =	sshll.u32 s1, $0xD;
	s1 =	sshrl.u32 s1, $0x2  }
0xc7: {  	s4 =	sand.u32 $0x4000, s31;
	s1 =	sadd.s32 s1, s30  }
0xc8: {  	s0 =	sor.u32 s4, s0;
	s1 =	sshll.u32 s1, $0x11  }
0xc9: {  	s0 =	sor.u32 s1, s0  }
0xca: {  	s0 =	sadd.s32 $0x8F2B, s0  }
0xcb: {  	[sflag:s0] =	ssyncadd.remote.s32 $0x1  }
0xcc: {  	_ =	sfence.sel $0xFFFF  }
0xcd: {  	[dreg:$0x0] =	wrdreg $0xFFFFFFFF;
	(pc) =	sbr.abs _section_cstart, $3  }
0xce: {  	[dreg:$0x1] =	wrdreg $0xFFFFFFFF  }
0xcf: {  	_ =	task.clear_ibuf [dreg:s22], $0x2FFFF;
	_ =	strace $0x9FFFFFFF  }
0xd0: {  	(tm) =	ssettm $0x7FFFFFFF  }
0xd1: {  	_ =	shalt  }
tec
execute0_lowered:
.L_overlay_start_1:
0x0: {  	(tag) =	ssettag $0x1  }
0x1: {  	s0 =	srdreg.scid;
	s4 =	rddreg [dreg:$0x0]  }
0x2: {  	s9 =	simm.s32 $0x400;
	s10 =	simm.s32 $0x0;
	s3 =	sand.u32 $0x1, s0  }
0x3: {  	s0 =	stileid.u32;
	s1 =	sshll.u32 s3, $0x4;
	s5 =	smul.u32 $0x5100, s3  }
0x4: {  	s7 =	sshll.u32 s0, $0x7;
	s29 =	ssub.s32 $0x2, s3;
	s2 =	sor.u32 s0, s1  }
0x5: {  	s8 =	smul.u32 $0x510, s0;
	s3 =	sadd.s32 $0xD4E00, s4;
	s6 =	sshrl.u32 s2, $0x3  }
0x6: {  	s1 =	rddreg [dreg:$0x1];
	s7 =	sand.u32 $0x380, s7;
	s6 =	smul.u32 $0x14000, s6  }
0x7: {  	s30 =	sshrl.u32 s29, $0x1;
	s2 =	simm.s32 $0x0;
	s5 =	sadd.s32 s5, s4  }
0x8: {  	[smem:$0x7FF] =	sst s2;
	s31 =	sadd.s32 s8, s5;
	s6 =	sor.u32 s7, s6  }
0x9: {  	s8 =	simm.s32 $0x1;
	_ =	strace $0x8000004A;
	s6 =	sshrl.u32 s6, $0x3  }
0xa: {  	s7 =	simm.s32 $0x80;
	s4 =	sadd.s32 s6, s4;
	s6 =	ssub.s32 s29, s30  }
0xb: {  	v0 =	vimm.f32 $1.000000000e+00;
	s4 =	sadd.s32 $0xD5400, s4;
	s5 =	smax.u32 s6, $0x1;
	s6 =	sadd.s32 $0x2C00, s31  }
.LBB2_1:
0xc: {  	[tilespmem:s7], [sflag:$0x1] =	stream.linear.gather [hbm4b:s3+s2], $0x2800, $0x38;
	[tilespmem:$0x2880] =	vst v63  }
0xd: {  	_ =	swait.ge [sflag:s8], $0x2800  }
0xe: {  	[sflag:s8] =	ssyncset.done $0x0  }
0xf: {  	s11 =	simm.s32 $0x0;
	[sflag:s8] =	ssyncadd.s32 $0xFFFFD800  }
.LBB2_2:
0x10: {  	s12 =	sadd.s32 s11, s6  }
0x11: {  	[tilespmem:s2], [sflag:$0x1] =	stream.linear.gather [hbm4b:s12+s2], $0x80, $0x38;
	[tilespmem:$0x2880] =	vst v63  }
0x12: {  	_ =	swait.ge [sflag:s8], $0x80  }
0x13: {  	[sflag:s8] =	ssyncset.done $0x0  }
0x14: {  	[sflag:s8] =	ssyncadd.s32 $0xFFFFFF80  }
0x15: {  	v1 =	vld [tilespmem:$0x0];
	_ =	sdelay $0x7  }
0x16: {  	[tilespmem:v1+s7+$0x0] =	vst.idx.add.f32.msk $0xffff, v0  }
0x17: {  	v1 =	vld [tilespmem:$0x10];
	_ =	sdelay $0x7  }
0x18: {  	[tilespmem:v1+s7+$0x0] =	vst.idx.add.f32.msk $0xffff, v0  }
0x19: {  	v1 =	vld [tilespmem:$0x20];
	_ =	sdelay $0x7  }
0x1a: {  	[tilespmem:v1+s7+$0x0] =	vst.idx.add.f32.msk $0xffff, v0  }
0x1b: {  	v1 =	vld [tilespmem:$0x30];
	_ =	sdelay $0x7  }
0x1c: {  	[tilespmem:v1+s7+$0x0] =	vst.idx.add.f32.msk $0xffff, v0  }
0x1d: {  	v1 =	vld [tilespmem:$0x40];
	_ =	sdelay $0x7  }
0x1e: {  	[tilespmem:v1+s7+$0x0] =	vst.idx.add.f32.msk $0xffff, v0  }
0x1f: {  	v1 =	vld [tilespmem:$0x50];
	_ =	sdelay $0x7  }
0x20: {  	[tilespmem:v1+s7+$0x0] =	vst.idx.add.f32.msk $0xffff, v0  }
0x21: {  	v1 =	vld [tilespmem:$0x60];
	_ =	sdelay $0x7  }
0x22: {  	[tilespmem:v1+s7+$0x0] =	vst.idx.add.f32.msk $0xffff, v0  }
0x23: {  	v1 =	vld [tilespmem:$0x70];
	_ =	sdelay $0x2  }
0x24: {  	p0 =	sne.s32 s11, $0x4F0  }
.Ltmp0:
0x25: {  	_ = 	snop;
	(pc) =	sbr.rel @p0 .LBB2_2-.Ltmp0, $2  }
0x26: {  	_ =	sdelay $0x2  }
0x27: {  	s11 =	sadd.s32 $0x10, s11;
	[tilespmem:v1+s7+$0x0] =	vst.idx.add.f32.msk $0xffff, v0  }
0x28: {  	s10 =	sadd.s32 $0x1, s10  }
0x29: {  	p0 =	sne.s32 s10, s5  }
.Ltmp1:
0x2a: {  	_ = 	snop;
	(pc) =	sbr.rel @p0 .LBB2_1-.Ltmp1, $4  }
0x2b: {  	[hbm4b:s4+s7] =	stream.strided.scatter [tilespmem:s7], [sflag:$0x1], $0x2800, s9, s7, $0x38;
	[tilespmem:$0x2880] =	vst v63  }
0x2c: {  	_ =	swait.ge [sflag:s8], $0x2800  }
0x2d: {  	[sflag:s8] =	ssyncset.done $0x0  }
0x2e: {  	[sflag:s8] =	ssyncadd.s32 $0xFFFFD800  }
0x2f: {  	_ =	sfence.sel $0x180000  }
0x30: {  	[bflag:$0x0] =	sbarrier.arrive $0xFFFF  }
0x31: {  	p0 =	sne.s32 s0, $0x0;
	_ =	strace $0x9000004A  }
0x32: {  	s0 =	sadd.s32 @!p0 $0x100000, s1;
	[bflag:$0x2] =	sbarrier.arrive $0xFFFF  }
0x33: {  	[sflag:s0] =	ssyncadd.tile.s32 @!p0 $0x1;
	_ =	shalt  }
.Lfunc_end2:
_tile_overlayer_lowered:
.L_overlay_start_2:
0x34: {  	(tag) =	ssettag $0x2  }
0x35: {  	s0 =	rddreg [dreg:$0x0];
	s2 =	stileid.u32  }
0x36: {  	s1 =	rddreg [dreg:$0x1];
	p0 =	sne.s32 s2, $0x0  }
0x37: {  	s3 =	rddreg [dreg:$0x2];
	[bflag:$0x3] =	sbarrier.arrive $0xFFFF;
	s2 =	simm.s32 @!p0 $0x1C01  }
0x38: {  	[timem:s3], [sflag:s2] =	dma.local @!p0 [hbm:s0], s1  }
0x39: {  	s0 =	simm.s32 @!p0 $0x1  }
0x3a: {  	_ =	swait.ge @!p0 [sflag:s0], s1  }
0x3b: {  	s1 =	ssub.s32 @!p0 $0x0, s1;
	[sflag:s0] =	ssyncset.done @!p0 $0x0  }
0x3c: {  	[sflag:s0] =	ssyncadd.s32 @!p0 s1  }
0x3d: {  	[bflag:$0x3] =	sbarrier.arrive $0xFFFF  }
0x3e: {  	_ =	shalt  }

</sc_bundles>
